<compile_context>
chip_gen: v7x
topology: tpu7x:2x2x1
jax: 0.10.2.dev20260603
libtpu: 0.0.44.dev20260713+nightly
codegen_flags: <defaults>
</compile_context>

<pallas_src>
import jax
import jax.numpy as jnp
from jax import lax
from jax.experimental import pallas as pl
from jax.experimental.pallas import tpu as pltpu
from jax.experimental.pallas import tpu_sc as plsc

NROW = 128
NCOL = 100000
NSAMP = 256
L = 16
NB = NCOL // L
SEG = 3120
SEGB = SEG // L
HALF = SEG * L
HBLK = HALF // L
TAIL = NCOL - 2 * HALF
TAILB = TAIL // L
G16W = 6256


def _iota16():
    return lax.iota(jnp.int32, 16)


def _bcast_i32(x):
    return x + jnp.zeros((16,), jnp.int32)


def _body(dist_hbm, u_hbm, out_hbm,
          buf, g16, uv, outbuf, s16,
          sem_a, sem_b, sem_t):
    cid = lax.axis_index("c")
    sid = lax.axis_index("s")
    wid = cid * 16 + sid
    iota = _iota16()
    blk_iota = iota * SEGB
    zeros_f = jnp.zeros((16,), jnp.float32)
    zeros_i = jnp.zeros((16,), jnp.int32)
    ones_i = jnp.ones((16,), jnp.int32)

    pltpu.sync_copy(u_hbm.at[pl.ds(wid * 4 * NSAMP, 4 * NSAMP)], uv)

    def compute_half(eoff, blkoff):
        init = (zeros_f, iota * SEG + eoff, blk_iota + blkoff)

        def blk_body(b, carry):
            acc, idxv, colv = carry
            vals = [plsc.load_gather(buf, [idxv + j]) for j in range(L)]
            while len(vals) > 1:
                vals = [vals[k] + vals[k + 1] for k in range(0, len(vals), 2)]
            acc = acc + vals[0]
            plsc.store_scatter(g16, [colv], acc)
            return acc, idxv + L, colv + 1

        acc, _, _ = plsc.parallel_loop(0, SEGB, carry=init)(blk_body)
        return acc

    def fixup_half(blkoff, base):
        def fix_body(b):
            idx = blk_iota + (blkoff + b)
            v = plsc.load_gather(g16, [idx])
            plsc.store_scatter(g16, [idx], v + base)

        plsc.parallel_loop(0, SEGB)(fix_body)

    def search16(t):
        p = zeros_i
        for s in (4096, 2048, 1024, 512, 256, 128, 64, 32, 16, 8, 4, 2, 1):
            cand = p + s
            col = jnp.minimum(cand - 1, G16W - 1)
            val = plsc.load_gather(g16, [col])
            ok = jnp.logical_and(cand <= NB, val <= t)
            p = jnp.where(ok, cand, p)
        base = jnp.where(
            p > 0, plsc.load_gather(g16, [jnp.maximum(p - 1, 0)]), zeros_f)
        thr = t - base
        e = jnp.minimum(p, NB - 1) * L
        run = zeros_f
        cnt = zeros_i
        for j in range(L):
            val = plsc.load_gather(buf, [jnp.minimum(e + j, NCOL - 1)])
            run = run + val
            cnt = cnt + jnp.where(run <= thr, ones_i, zeros_i)
        return jnp.minimum(jnp.maximum(p * L + cnt, 0), NCOL - 1)

    def row_body(rl, _):
        row = wid * 4 + rl
        cp_a = pltpu.make_async_copy(
            dist_hbm.at[row, pl.ds(0, HALF)], buf.at[pl.ds(0, HALF)], sem_a)
        cp_b = pltpu.make_async_copy(
            dist_hbm.at[row, pl.ds(HALF, HALF)],
            buf.at[pl.ds(HALF, HALF)], sem_b)
        cp_t = pltpu.make_async_copy(
            dist_hbm.at[row, pl.ds(2 * HALF, TAIL)],
            buf.at[pl.ds(2 * HALF, TAIL)], sem_t)
        cp_a.start()
        cp_b.start()
        cp_t.start()

        cp_a.wait()
        acc_a = compute_half(0, 0)
        cp_b.wait()
        acc_b = compute_half(HALF, HBLK)

        cum_a = plsc.cumsum(acc_a)
        base_a = cum_a - acc_a
        s16[...] = cum_a
        tot_a = plsc.load_gather(s16, [jnp.full((16,), 15, jnp.int32)])
        cum_b = plsc.cumsum(acc_b)
        base_b = cum_b - acc_b + tot_a
        s16[...] = cum_b + tot_a
        tot_ab = plsc.load_gather(s16, [jnp.full((16,), 15, jnp.int32)])
        fixup_half(0, base_a)
        fixup_half(HBLK, base_b)

        cp_t.wait()
        lane0 = iota == 0
        tcum = tot_ab
        for t in range(TAILB):
            tcum = tcum + jnp.sum(buf[pl.ds(2 * HALF + t * L, L)])
            plsc.store_scatter(g16, [_bcast_i32(2 * HBLK + t)], tcum,
                               mask=lane0)

        tot = plsc.load_gather(g16, [jnp.full((16,), NB - 1, jnp.int32)])

        def samp_body(jv, _):
            o1 = rl * NSAMP + jv * 16
            o2 = o1 + 128
            idx1 = search16(uv[pl.ds(o1, 16)] * tot)
            idx2 = search16(uv[pl.ds(o2, 16)] * tot)
            outbuf[pl.ds(o1, 16)] = idx1
            outbuf[pl.ds(o2, 16)] = idx2
            return 0

        lax.fori_loop(0, 8, samp_body, 0)
        return 0

    lax.fori_loop(0, 4, row_body, 0)
    pltpu.sync_copy(outbuf, out_hbm.at[pl.ds(wid * 4 * NSAMP, 4 * NSAMP)])


def kernel(dist):
    mesh = plsc.VectorSubcoreMesh(core_axis_name="c", subcore_axis_name="s")
    params = pltpu.CompilerParams(use_tc_tiling_on_sc=False,
                                  needs_layout_passes=False)

    ukey = jax.random.fold_in(jax.random.key(0), 1)
    u = jax.random.uniform(ukey, (NROW, NSAMP), dtype=jnp.float32)

    run = pl.kernel(
        _body,
        out_type=jax.ShapeDtypeStruct((NROW * NSAMP,), jnp.int32),
        mesh=mesh,
        compiler_params=params,
        scratch_types=[
            pltpu.VMEM((NCOL,), jnp.float32),
            pltpu.VMEM((G16W,), jnp.float32),
            pltpu.VMEM((4 * NSAMP,), jnp.float32),
            pltpu.VMEM((4 * NSAMP,), jnp.int32),
            pltpu.VMEM((16,), jnp.float32),
            pltpu.SemaphoreType.DMA,
            pltpu.SemaphoreType.DMA,
            pltpu.SemaphoreType.DMA,
        ],
    )
    return run(dist, u.reshape(NROW * NSAMP)).reshape(NROW, NSAMP)

# --- scband reference (transcript-rebuilt; emitter-appended) ---
"""Pipeline reference for scband-my-model-61933428411186 (READ-ONLY COPY).

The authoritative reference and input builder live on the scoring server;
editing this copy changes nothing except your own understanding.
"""

import jax, jax.numpy as jnp
import numpy as np

NUM_NEG_SAMPLES = 256

def setup_inputs(seed: int = 0) -> dict:
    key = jax.random.key(seed)
    dist = jax.random.uniform(key, (128, 100000), dtype=jnp.float32)
    return {"dist": dist}

def reference(dist):
    # torch.multinomial(dist, num_samples, replacement=True):
    # treat each row of dist as unnormalized category weights and draw
    # NUM_NEG_SAMPLES iid samples per row via inverse-CDF sampling.
    cdf = jnp.cumsum(dist, axis=-1)
    cdf = cdf / cdf[:, -1:]
    ukey = jax.random.fold_in(jax.random.key(0), 1)
    u = jax.random.uniform(ukey, (dist.shape[0], NUM_NEG_SAMPLES), dtype=jnp.float32)
    idx = jax.vmap(lambda c, uu: jnp.searchsorted(c, uu, side="right"))(cdf, u)
    idx = jnp.clip(idx, 0, dist.shape[1] - 1)
    return idx.astype(jnp.int32)

if __name__ == "__main__":
    import jax
    _d = setup_inputs()
    print(jax.jit(kernel)(*tuple(_d.values())))

</pallas_src>

<mosaic_0001>
#map = affine_map<(d0, d1) -> (0, 0)>
#map1 = affine_map<(d0, d1) -> (0)>
module attributes {stable_mosaic.version = 14 : i64} {
  func.func @_body(%arg0: i32, %arg1: i32, %arg2: memref<128x100000xf32, #tpu.memory_space<hbm>>, %arg3: memref<32768xf32, #tpu.memory_space<hbm>>, %arg4: memref<32768xi32, #tpu.memory_space<hbm>>, %arg5: memref<100000xf32, #tpu.memory_space<vmem>>, %arg6: memref<6256xf32, #tpu.memory_space<vmem>>, %arg7: memref<1024xf32, #tpu.memory_space<vmem>>, %arg8: memref<1024xi32, #tpu.memory_space<vmem>>, %arg9: memref<16xf32, #tpu.memory_space<vmem>>, %arg10: memref<!tpu.dma_semaphore, #tpu.memory_space<semaphore_mem>>, %arg11: memref<!tpu.dma_semaphore, #tpu.memory_space<semaphore_mem>>, %arg12: memref<!tpu.dma_semaphore, #tpu.memory_space<semaphore_mem>>) attributes {dimension_semantics = [#tpu.dimension_semantics<core_parallel>, #tpu.dimension_semantics<subcore_parallel>], iteration_bounds = array<i64: 2, 16>, scalar_prefetch = 0 : i64, scratch_operands = 8 : i64, tpu.core_type = #tpu.core_type<sc_vector_subcore>, window_params = [{transform_indices = #map}, {transform_indices = #map1}, {transform_indices = #map1}]} {
    %mul3A = arith.constant 16 : i32
    %mul3A_0 = arith.muli %arg0, %mul3A : i32
    %add3A = arith.addi %mul3A_0, %arg1 : i32
    %iota3A = tpu.iota {dimensions = array<i32: 0>} : vector<16xi32>
    %mul3A_1 = arith.constant 195 : i32
    %mul3A_2 = vector.broadcast %mul3A_1 : i32 to vector<16xi32>
    %mul3A_3 = arith.muli %iota3A, %mul3A_2 : vector<16xi32>
    %broadcast_in_dim3A = arith.constant 0.000000e+00 : f32
    %broadcast_in_dim3A_4 = vector.broadcast %broadcast_in_dim3A : f32 to vector<16xf32>
    %broadcast_in_dim3A_5 = arith.constant 0 : i32
    %broadcast_in_dim3A_6 = vector.broadcast %broadcast_in_dim3A_5 : i32 to vector<16xi32>
    %broadcast_in_dim3A_7 = arith.constant 1 : i32
    %broadcast_in_dim3A_8 = vector.broadcast %broadcast_in_dim3A_7 : i32 to vector<16xi32>
    %mul3A_9 = arith.constant 4 : i32
    %mul3A_10 = arith.muli %add3A, %mul3A_9 : i32
    %mul3A_11 = arith.constant 256 : i32
    %mul3A_12 = arith.muli %mul3A_10, %mul3A_11 : i32
    "tpu.region"() ({
      %run_scoped3A = tpu.sem_alloc : memref<!tpu.dma_semaphore, #tpu.memory_space<semaphore_mem>>
      %dma_start3A = tpu.memref_slice %arg3[%mul3A_12] : memref<32768xf32, #tpu.memory_space<hbm>> -> memref<1024xf32, #tpu.memory_space<hbm>>
      %dma_start3A_23 = tpu.memref_slice %arg3[%mul3A_12] : memref<32768xf32, #tpu.memory_space<hbm>> -> memref<1024xf32, #tpu.memory_space<hbm>>
      tpu.enqueue_dma source(%dma_start3A_23 : memref<1024xf32, #tpu.memory_space<hbm>>) target(%arg7 : memref<1024xf32, #tpu.memory_space<vmem>>) target_semaphore(%run_scoped3A : memref<!tpu.dma_semaphore, #tpu.memory_space<semaphore_mem>>)
      %dma_wait3A = tpu.memref_slice %arg3[%mul3A_12] : memref<32768xf32, #tpu.memory_space<hbm>> -> memref<1024xf32, #tpu.memory_space<hbm>>
      %dma_wait3A_24 = tpu.memref_slice %arg3[%mul3A_12] : memref<32768xf32, #tpu.memory_space<hbm>> -> memref<1024xf32, #tpu.memory_space<hbm>>
      tpu.wait_dma2 semaphore(%run_scoped3A : memref<!tpu.dma_semaphore, #tpu.memory_space<semaphore_mem>>) src(%dma_wait3A_24 : memref<1024xf32, #tpu.memory_space<hbm>>) dst(%arg7 : memref<1024xf32, #tpu.memory_space<vmem>>)
      tpu.yield
    }) : () -> ()
    %scan3A = arith.constant 0 : i32
    %scan3A_13 = arith.constant 0 : i32
    %scan3A_14 = arith.constant 4 : i32
    %scan3A_15 = arith.addi %scan3A_13, %scan3A_14 : i32
    %scan3A_16 = arith.constant 1 : i32
    %scan3A_17 = scf.for %scan3A_23 = %scan3A_13 to %scan3A_15 step %scan3A_16 iter_args(%scan3A_24 = %scan3A) -> (i32)  : i32 {
      %mul3A_25 = arith.constant 4 : i32
      %mul3A_26 = arith.muli %add3A, %mul3A_25 : i32
      %add3A_27 = arith.addi %mul3A_26, %scan3A_23 : i32
      %dma_start3A = arith.constant 0 : i32
      %dma_start3A_28 = tpu.memref_slice %arg5[%dma_start3A] : memref<100000xf32, #tpu.memory_space<vmem>> -> memref<49920xf32, #tpu.memory_space<vmem>>
      %dma_start3A_29 = arith.constant 0 : i32
      %dma_start3A_30 = tpu.memref_slice %arg2[%add3A_27, %dma_start3A_29] : memref<128x100000xf32, #tpu.memory_space<hbm>> -> memref<1x49920xf32, #tpu.memory_space<hbm>>
      %dma_start3A_31 = tpu.memref_squeeze %dma_start3A_30 : memref<1x49920xf32, #tpu.memory_space<hbm>> -> memref<49920xf32, #tpu.memory_space<hbm>>
      %dma_start3A_32 = arith.constant 0 : i32
      %dma_start3A_33 = tpu.memref_slice %arg5[%dma_start3A_32] : memref<100000xf32, #tpu.memory_space<vmem>> -> memref<49920xf32, #tpu.memory_space<vmem>>
      %dma_start3A_34 = arith.constant 0 : i32
      %dma_start3A_35 = tpu.memref_slice %arg2[%add3A_27, %dma_start3A_34] : memref<128x100000xf32, #tpu.memory_space<hbm>> -> memref<1x49920xf32, #tpu.memory_space<hbm>>
      %dma_start3A_36 = tpu.memref_squeeze %dma_start3A_35 : memref<1x49920xf32, #tpu.memory_space<hbm>> -> memref<49920xf32, #tpu.memory_space<hbm>>
      tpu.enqueue_dma source(%dma_start3A_36 : memref<49920xf32, #tpu.memory_space<hbm>>) target(%dma_start3A_33 : memref<49920xf32, #tpu.memory_space<vmem>>) target_semaphore(%arg10 : memref<!tpu.dma_semaphore, #tpu.memory_space<semaphore_mem>>)
      %dma_start3A_37 = arith.constant 49920 : i32
      %dma_start3A_38 = tpu.memref_slice %arg5[%dma_start3A_37] : memref<100000xf32, #tpu.memory_space<vmem>> -> memref<49920xf32, #tpu.memory_space<vmem>>
      %dma_start3A_39 = arith.constant 49920 : i32
      %dma_start3A_40 = tpu.memref_slice %arg2[%add3A_27, %dma_start3A_39] : memref<128x100000xf32, #tpu.memory_space<hbm>> -> memref<1x49920xf32, #tpu.memory_space<hbm>>
      %dma_start3A_41 = tpu.memref_squeeze %dma_start3A_40 : memref<1x49920xf32, #tpu.memory_space<hbm>> -> memref<49920xf32, #tpu.memory_space<hbm>>
      %dma_start3A_42 = arith.constant 49920 : i32
      %dma_start3A_43 = tpu.memref_slice %arg5[%dma_start3A_42] : memref<100000xf32, #tpu.memory_space<vmem>> -> memref<49920xf32, #tpu.memory_space<vmem>>
      %dma_start3A_44 = arith.constant 49920 : i32
      %dma_start3A_45 = tpu.memref_slice %arg2[%add3A_27, %dma_start3A_44] : memref<128x100000xf32, #tpu.memory_space<hbm>> -> memref<1x49920xf32, #tpu.memory_space<hbm>>
      %dma_start3A_46 = tpu.memref_squeeze %dma_start3A_45 : memref<1x49920xf32, #tpu.memory_space<hbm>> -> memref<49920xf32, #tpu.memory_space<hbm>>
      tpu.enqueue_dma source(%dma_start3A_46 : memref<49920xf32, #tpu.memory_space<hbm>>) target(%dma_start3A_43 : memref<49920xf32, #tpu.memory_space<vmem>>) target_semaphore(%arg11 : memref<!tpu.dma_semaphore, #tpu.memory_space<semaphore_mem>>)
      %dma_start3A_47 = arith.constant 99840 : i32
      %dma_start3A_48 = tpu.memref_slice %arg5[%dma_start3A_47] : memref<100000xf32, #tpu.memory_space<vmem>> -> memref<160xf32, #tpu.memory_space<vmem>>
      %dma_start3A_49 = arith.constant 99840 : i32
      %dma_start3A_50 = tpu.memref_slice %arg2[%add3A_27, %dma_start3A_49] : memref<128x100000xf32, #tpu.memory_space<hbm>> -> memref<1x160xf32, #tpu.memory_space<hbm>>
      %dma_start3A_51 = tpu.memref_squeeze %dma_start3A_50 : memref<1x160xf32, #tpu.memory_space<hbm>> -> memref<160xf32, #tpu.memory_space<hbm>>
      %dma_start3A_52 = arith.constant 99840 : i32
      %dma_start3A_53 = tpu.memref_slice %arg5[%dma_start3A_52] : memref<100000xf32, #tpu.memory_space<vmem>> -> memref<160xf32, #tpu.memory_space<vmem>>
      %dma_start3A_54 = arith.constant 99840 : i32
      %dma_start3A_55 = tpu.memref_slice %arg2[%add3A_27, %dma_start3A_54] : memref<128x100000xf32, #tpu.memory_space<hbm>> -> memref<1x160xf32, #tpu.memory_space<hbm>>
      %dma_start3A_56 = tpu.memref_squeeze %dma_start3A_55 : memref<1x160xf32, #tpu.memory_space<hbm>> -> memref<160xf32, #tpu.memory_space<hbm>>
      tpu.enqueue_dma source(%dma_start3A_56 : memref<160xf32, #tpu.memory_space<hbm>>) target(%dma_start3A_53 : memref<160xf32, #tpu.memory_space<vmem>>) target_semaphore(%arg12 : memref<!tpu.dma_semaphore, #tpu.memory_space<semaphore_mem>>)
      %dma_wait3A = arith.constant 0 : i32
      %dma_wait3A_57 = tpu.memref_slice %arg5[%dma_wait3A] : memref<100000xf32, #tpu.memory_space<vmem>> -> memref<49920xf32, #tpu.memory_space<vmem>>
      %dma_wait3A_58 = arith.constant 0 : i32
      %dma_wait3A_59 = tpu.memref_slice %arg2[%add3A_27, %dma_wait3A_58] : memref<128x100000xf32, #tpu.memory_space<hbm>> -> memref<1x49920xf32, #tpu.memory_space<hbm>>
      %dma_wait3A_60 = tpu.memref_squeeze %dma_wait3A_59 : memref<1x49920xf32, #tpu.memory_space<hbm>> -> memref<49920xf32, #tpu.memory_space<hbm>>
      %dma_wait3A_61 = arith.constant 0 : i32
      %dma_wait3A_62 = tpu.memref_slice %arg5[%dma_wait3A_61] : memref<100000xf32, #tpu.memory_space<vmem>> -> memref<49920xf32, #tpu.memory_space<vmem>>
      %dma_wait3A_63 = arith.constant 0 : i32
      %dma_wait3A_64 = tpu.memref_slice %arg2[%add3A_27, %dma_wait3A_63] : memref<128x100000xf32, #tpu.memory_space<hbm>> -> memref<1x49920xf32, #tpu.memory_space<hbm>>
      %dma_wait3A_65 = tpu.memref_squeeze %dma_wait3A_64 : memref<1x49920xf32, #tpu.memory_space<hbm>> -> memref<49920xf32, #tpu.memory_space<hbm>>
      tpu.wait_dma2 semaphore(%arg10 : memref<!tpu.dma_semaphore, #tpu.memory_space<semaphore_mem>>) src(%dma_wait3A_65 : memref<49920xf32, #tpu.memory_space<hbm>>) dst(%dma_wait3A_62 : memref<49920xf32, #tpu.memory_space<vmem>>)
      %mul3A_66 = arith.constant 3120 : i32
      %mul3A_67 = vector.broadcast %mul3A_66 : i32 to vector<16xi32>
      %mul3A_68 = arith.muli %iota3A, %mul3A_67 : vector<16xi32>
      %add3A_69 = arith.constant 0 : i32
      %add3A_70 = vector.broadcast %add3A_69 : i32 to vector<16xi32>
      %add3A_71 = arith.addi %mul3A_68, %add3A_70 : vector<16xi32>
      %add3A_72 = arith.constant 0 : i32
      %add3A_73 = vector.broadcast %add3A_72 : i32 to vector<16xi32>
      %add3A_74 = arith.addi %mul3A_3, %add3A_73 : vector<16xi32>
      %parallel_loop3A = arith.constant 0 : i32
      %parallel_loop3A_75 = arith.constant 195 : i32
      %parallel_loop3A_76 = arith.constant 1 : i32
      %parallel_loop3A_77:3 = scf.for %parallel_loop3A_274 = %parallel_loop3A to %parallel_loop3A_75 step %parallel_loop3A_76 iter_args(%parallel_loop3A_275 = %broadcast_in_dim3A_4, %parallel_loop3A_276 = %add3A_71, %parallel_loop3A_277 = %add3A_74) -> (vector<16xf32>, vector<16xi32>, vector<16xi32>)  : i32 {
        %parallel_loop3A_278 = arith.constant 0 : i32
        %parallel_loop3A_279 = vector.broadcast %parallel_loop3A_278 : i32 to vector<16xi32>
        %parallel_loop3A_280 = arith.addi %parallel_loop3A_276, %parallel_loop3A_279 : vector<16xi32>
        %parallel_loop3A_281 = tpu.vector_load_idx %arg5[%parallel_loop3A_280] : memref<100000xf32, #tpu.memory_space<vmem>>[vector<16xi32>], vector<16xf32>,
        %parallel_loop3A_282 = arith.constant 1 : i32
        %parallel_loop3A_283 = vector.broadcast %parallel_loop3A_282 : i32 to vector<16xi32>
        %parallel_loop3A_284 = arith.addi %parallel_loop3A_276, %parallel_loop3A_283 : vector<16xi32>
        %parallel_loop3A_285 = tpu.vector_load_idx %arg5[%parallel_loop3A_284] : memref<100000xf32, #tpu.memory_space<vmem>>[vector<16xi32>], vector<16xf32>,
        %parallel_loop3A_286 = arith.constant 2 : i32
        %parallel_loop3A_287 = vector.broadcast %parallel_loop3A_286 : i32 to vector<16xi32>
        %parallel_loop3A_288 = arith.addi %parallel_loop3A_276, %parallel_loop3A_287 : vector<16xi32>
        %parallel_loop3A_289 = tpu.vector_load_idx %arg5[%parallel_loop3A_288] : memref<100000xf32, #tpu.memory_space<vmem>>[vector<16xi32>], vector<16xf32>,
        %parallel_loop3A_290 = arith.constant 3 : i32
        %parallel_loop3A_291 = vector.broadcast %parallel_loop3A_290 : i32 to vector<16xi32>
        %parallel_loop3A_292 = arith.addi %parallel_loop3A_276, %parallel_loop3A_291 : vector<16xi32>
        %parallel_loop3A_293 = tpu.vector_load_idx %arg5[%parallel_loop3A_292] : memref<100000xf32, #tpu.memory_space<vmem>>[vector<16xi32>], vector<16xf32>,
        %parallel_loop3A_294 = arith.constant 4 : i32
        %parallel_loop3A_295 = vector.broadcast %parallel_loop3A_294 : i32 to vector<16xi32>
        %parallel_loop3A_296 = arith.addi %parallel_loop3A_276, %parallel_loop3A_295 : vector<16xi32>
        %parallel_loop3A_297 = tpu.vector_load_idx %arg5[%parallel_loop3A_296] : memref<100000xf32, #tpu.memory_space<vmem>>[vector<16xi32>], vector<16xf32>,
        %parallel_loop3A_298 = arith.constant 5 : i32
        %parallel_loop3A_299 = vector.broadcast %parallel_loop3A_298 : i32 to vector<16xi32>
        %parallel_loop3A_300 = arith.addi %parallel_loop3A_276, %parallel_loop3A_299 : vector<16xi32>
        %parallel_loop3A_301 = tpu.vector_load_idx %arg5[%parallel_loop3A_300] : memref<100000xf32, #tpu.memory_space<vmem>>[vector<16xi32>], vector<16xf32>,
        %parallel_loop3A_302 = arith.constant 6 : i32
        %parallel_loop3A_303 = vector.broadcast %parallel_loop3A_302 : i32 to vector<16xi32>
        %parallel_loop3A_304 = arith.addi %parallel_loop3A_276, %parallel_loop3A_303 : vector<16xi32>
        %parallel_loop3A_305 = tpu.vector_load_idx %arg5[%parallel_loop3A_304] : memref<100000xf32, #tpu.memory_space<vmem>>[vector<16xi32>], vector<16xf32>,
        %parallel_loop3A_306 = arith.constant 7 : i32
        %parallel_loop3A_307 = vector.broadcast %parallel_loop3A_306 : i32 to vector<16xi32>
        %parallel_loop3A_308 = arith.addi %parallel_loop3A_276, %parallel_loop3A_307 : vector<16xi32>
        %parallel_loop3A_309 = tpu.vector_load_idx %arg5[%parallel_loop3A_308] : memref<100000xf32, #tpu.memory_space<vmem>>[vector<16xi32>], vector<16xf32>,
        %parallel_loop3A_310 = arith.constant 8 : i32
        %parallel_loop3A_311 = vector.broadcast %parallel_loop3A_310 : i32 to vector<16xi32>
        %parallel_loop3A_312 = arith.addi %parallel_loop3A_276, %parallel_loop3A_311 : vector<16xi32>
        %parallel_loop3A_313 = tpu.vector_load_idx %arg5[%parallel_loop3A_312] : memref<100000xf32, #tpu.memory_space<vmem>>[vector<16xi32>], vector<16xf32>,
        %parallel_loop3A_314 = arith.constant 9 : i32
        %parallel_loop3A_315 = vector.broadcast %parallel_loop3A_314 : i32 to vector<16xi32>
        %parallel_loop3A_316 = arith.addi %parallel_loop3A_276, %parallel_loop3A_315 : vector<16xi32>
        %parallel_loop3A_317 = tpu.vector_load_idx %arg5[%parallel_loop3A_316] : memref<100000xf32, #tpu.memory_space<vmem>>[vector<16xi32>], vector<16xf32>,
        %parallel_loop3A_318 = arith.constant 10 : i32
        %parallel_loop3A_319 = vector.broadcast %parallel_loop3A_318 : i32 to vector<16xi32>
        %parallel_loop3A_320 = arith.addi %parallel_loop3A_276, %parallel_loop3A_319 : vector<16xi32>
        %parallel_loop3A_321 = tpu.vector_load_idx %arg5[%parallel_loop3A_320] : memref<100000xf32, #tpu.memory_space<vmem>>[vector<16xi32>], vector<16xf32>,
        %parallel_loop3A_322 = arith.constant 11 : i32
        %parallel_loop3A_323 = vector.broadcast %parallel_loop3A_322 : i32 to vector<16xi32>
        %parallel_loop3A_324 = arith.addi %parallel_loop3A_276, %parallel_loop3A_323 : vector<16xi32>
        %parallel_loop3A_325 = tpu.vector_load_idx %arg5[%parallel_loop3A_324] : memref<100000xf32, #tpu.memory_space<vmem>>[vector<16xi32>], vector<16xf32>,
        %parallel_loop3A_326 = arith.constant 12 : i32
        %parallel_loop3A_327 = vector.broadcast %parallel_loop3A_326 : i32 to vector<16xi32>
        %parallel_loop3A_328 = arith.addi %parallel_loop3A_276, %parallel_loop3A_327 : vector<16xi32>
        %parallel_loop3A_329 = tpu.vector_load_idx %arg5[%parallel_loop3A_328] : memref<100000xf32, #tpu.memory_space<vmem>>[vector<16xi32>], vector<16xf32>,
        %parallel_loop3A_330 = arith.constant 13 : i32
        %parallel_loop3A_331 = vector.broadcast %parallel_loop3A_330 : i32 to vector<16xi32>
        %parallel_loop3A_332 = arith.addi %parallel_loop3A_276, %parallel_loop3A_331 : vector<16xi32>
        %parallel_loop3A_333 = tpu.vector_load_idx %arg5[%parallel_loop3A_332] : memref<100000xf32, #tpu.memory_space<vmem>>[vector<16xi32>], vector<16xf32>,
        %parallel_loop3A_334 = arith.constant 14 : i32
        %parallel_loop3A_335 = vector.broadcast %parallel_loop3A_334 : i32 to vector<16xi32>
        %parallel_loop3A_336 = arith.addi %parallel_loop3A_276, %parallel_loop3A_335 : vector<16xi32>
        %parallel_loop3A_337 = tpu.vector_load_idx %arg5[%parallel_loop3A_336] : memref<100000xf32, #tpu.memory_space<vmem>>[vector<16xi32>], vector<16xf32>,
        %parallel_loop3A_338 = arith.constant 15 : i32
        %parallel_loop3A_339 = vector.broadcast %parallel_loop3A_338 : i32 to vector<16xi32>
        %parallel_loop3A_340 = arith.addi %parallel_loop3A_276, %parallel_loop3A_339 : vector<16xi32>
        %parallel_loop3A_341 = tpu.vector_load_idx %arg5[%parallel_loop3A_340] : memref<100000xf32, #tpu.memory_space<vmem>>[vector<16xi32>], vector<16xf32>,
        %parallel_loop3A_342 = arith.addf %parallel_loop3A_281, %parallel_loop3A_285 : vector<16xf32>
        %parallel_loop3A_343 = arith.addf %parallel_loop3A_289, %parallel_loop3A_293 : vector<16xf32>
        %parallel_loop3A_344 = arith.addf %parallel_loop3A_297, %parallel_loop3A_301 : vector<16xf32>
        %parallel_loop3A_345 = arith.addf %parallel_loop3A_305, %parallel_loop3A_309 : vector<16xf32>
        %parallel_loop3A_346 = arith.addf %parallel_loop3A_313, %parallel_loop3A_317 : vector<16xf32>
        %parallel_loop3A_347 = arith.addf %parallel_loop3A_321, %parallel_loop3A_325 : vector<16xf32>
        %parallel_loop3A_348 = arith.addf %parallel_loop3A_329, %parallel_loop3A_333 : vector<16xf32>
        %parallel_loop3A_349 = arith.addf %parallel_loop3A_337, %parallel_loop3A_341 : vector<16xf32>
        %parallel_loop3A_350 = arith.addf %parallel_loop3A_342, %parallel_loop3A_343 : vector<16xf32>
        %parallel_loop3A_351 = arith.addf %parallel_loop3A_344, %parallel_loop3A_345 : vector<16xf32>
        %parallel_loop3A_352 = arith.addf %parallel_loop3A_346, %parallel_loop3A_347 : vector<16xf32>
        %parallel_loop3A_353 = arith.addf %parallel_loop3A_348, %parallel_loop3A_349 : vector<16xf32>
        %parallel_loop3A_354 = arith.addf %parallel_loop3A_350, %parallel_loop3A_351 : vector<16xf32>
        %parallel_loop3A_355 = arith.addf %parallel_loop3A_352, %parallel_loop3A_353 : vector<16xf32>
        %parallel_loop3A_356 = arith.addf %parallel_loop3A_354, %parallel_loop3A_355 : vector<16xf32>
        %parallel_loop3A_357 = arith.addf %parallel_loop3A_275, %parallel_loop3A_356 : vector<16xf32>
        tpu.vector_store_idx %arg6[%parallel_loop3A_277], %parallel_loop3A_357 : memref<6256xf32, #tpu.memory_space<vmem>>[vector<16xi32>], vector<16xf32>,
        %parallel_loop3A_358 = arith.constant 16 : i32
        %parallel_loop3A_359 = vector.broadcast %parallel_loop3A_358 : i32 to vector<16xi32>
        %parallel_loop3A_360 = arith.addi %parallel_loop3A_276, %parallel_loop3A_359 : vector<16xi32>
        %parallel_loop3A_361 = arith.constant 1 : i32
        %parallel_loop3A_362 = vector.broadcast %parallel_loop3A_361 : i32 to vector<16xi32>
        %parallel_loop3A_363 = arith.addi %parallel_loop3A_277, %parallel_loop3A_362 : vector<16xi32>
        scf.yield %parallel_loop3A_357, %parallel_loop3A_360, %parallel_loop3A_363 : vector<16xf32>, vector<16xi32>, vector<16xi32>
      } {sc.loop_unroll_factor = 1 : i64, sc.parallel_access}
      %dma_wait3A_78 = arith.constant 49920 : i32
      %dma_wait3A_79 = tpu.memref_slice %arg5[%dma_wait3A_78] : memref<100000xf32, #tpu.memory_space<vmem>> -> memref<49920xf32, #tpu.memory_space<vmem>>
      %dma_wait3A_80 = arith.constant 49920 : i32
      %dma_wait3A_81 = tpu.memref_slice %arg2[%add3A_27, %dma_wait3A_80] : memref<128x100000xf32, #tpu.memory_space<hbm>> -> memref<1x49920xf32, #tpu.memory_space<hbm>>
      %dma_wait3A_82 = tpu.memref_squeeze %dma_wait3A_81 : memref<1x49920xf32, #tpu.memory_space<hbm>> -> memref<49920xf32, #tpu.memory_space<hbm>>
      %dma_wait3A_83 = arith.constant 49920 : i32
      %dma_wait3A_84 = tpu.memref_slice %arg5[%dma_wait3A_83] : memref<100000xf32, #tpu.memory_space<vmem>> -> memref<49920xf32, #tpu.memory_space<vmem>>
      %dma_wait3A_85 = arith.constant 49920 : i32
      %dma_wait3A_86 = tpu.memref_slice %arg2[%add3A_27, %dma_wait3A_85] : memref<128x100000xf32, #tpu.memory_space<hbm>> -> memref<1x49920xf32, #tpu.memory_space<hbm>>
      %dma_wait3A_87 = tpu.memref_squeeze %dma_wait3A_86 : memref<1x49920xf32, #tpu.memory_space<hbm>> -> memref<49920xf32, #tpu.memory_space<hbm>>
      tpu.wait_dma2 semaphore(%arg11 : memref<!tpu.dma_semaphore, #tpu.memory_space<semaphore_mem>>) src(%dma_wait3A_87 : memref<49920xf32, #tpu.memory_space<hbm>>) dst(%dma_wait3A_84 : memref<49920xf32, #tpu.memory_space<vmem>>)
      %mul3A_88 = arith.constant 3120 : i32
      %mul3A_89 = vector.broadcast %mul3A_88 : i32 to vector<16xi32>
      %mul3A_90 = arith.muli %iota3A, %mul3A_89 : vector<16xi32>
      %add3A_91 = arith.constant 49920 : i32
      %add3A_92 = vector.broadcast %add3A_91 : i32 to vector<16xi32>
      %add3A_93 = arith.addi %mul3A_90, %add3A_92 : vector<16xi32>
      %add3A_94 = arith.constant 3120 : i32
      %add3A_95 = vector.broadcast %add3A_94 : i32 to vector<16xi32>
      %add3A_96 = arith.addi %mul3A_3, %add3A_95 : vector<16xi32>
      %parallel_loop3A_97 = arith.constant 0 : i32
      %parallel_loop3A_98 = arith.constant 195 : i32
      %parallel_loop3A_99 = arith.constant 1 : i32
      %parallel_loop3A_100:3 = scf.for %parallel_loop3A_274 = %parallel_loop3A_97 to %parallel_loop3A_98 step %parallel_loop3A_99 iter_args(%parallel_loop3A_275 = %broadcast_in_dim3A_4, %parallel_loop3A_276 = %add3A_93, %parallel_loop3A_277 = %add3A_96) -> (vector<16xf32>, vector<16xi32>, vector<16xi32>)  : i32 {
        %parallel_loop3A_278 = arith.constant 0 : i32
        %parallel_loop3A_279 = vector.broadcast %parallel_loop3A_278 : i32 to vector<16xi32>
        %parallel_loop3A_280 = arith.addi %parallel_loop3A_276, %parallel_loop3A_279 : vector<16xi32>
        %parallel_loop3A_281 = tpu.vector_load_idx %arg5[%parallel_loop3A_280] : memref<100000xf32, #tpu.memory_space<vmem>>[vector<16xi32>], vector<16xf32>,
        %parallel_loop3A_282 = arith.constant 1 : i32
        %parallel_loop3A_283 = vector.broadcast %parallel_loop3A_282 : i32 to vector<16xi32>
        %parallel_loop3A_284 = arith.addi %parallel_loop3A_276, %parallel_loop3A_283 : vector<16xi32>
        %parallel_loop3A_285 = tpu.vector_load_idx %arg5[%parallel_loop3A_284] : memref<100000xf32, #tpu.memory_space<vmem>>[vector<16xi32>], vector<16xf32>,
        %parallel_loop3A_286 = arith.constant 2 : i32
        %parallel_loop3A_287 = vector.broadcast %parallel_loop3A_286 : i32 to vector<16xi32>
        %parallel_loop3A_288 = arith.addi %parallel_loop3A_276, %parallel_loop3A_287 : vector<16xi32>
        %parallel_loop3A_289 = tpu.vector_load_idx %arg5[%parallel_loop3A_288] : memref<100000xf32, #tpu.memory_space<vmem>>[vector<16xi32>], vector<16xf32>,
        %parallel_loop3A_290 = arith.constant 3 : i32
        %parallel_loop3A_291 = vector.broadcast %parallel_loop3A_290 : i32 to vector<16xi32>
        %parallel_loop3A_292 = arith.addi %parallel_loop3A_276, %parallel_loop3A_291 : vector<16xi32>
        %parallel_loop3A_293 = tpu.vector_load_idx %arg5[%parallel_loop3A_292] : memref<100000xf32, #tpu.memory_space<vmem>>[vector<16xi32>], vector<16xf32>,
        %parallel_loop3A_294 = arith.constant 4 : i32
        %parallel_loop3A_295 = vector.broadcast %parallel_loop3A_294 : i32 to vector<16xi32>
        %parallel_loop3A_296 = arith.addi %parallel_loop3A_276, %parallel_loop3A_295 : vector<16xi32>
        %parallel_loop3A_297 = tpu.vector_load_idx %arg5[%parallel_loop3A_296] : memref<100000xf32, #tpu.memory_space<vmem>>[vector<16xi32>], vector<16xf32>,
        %parallel_loop3A_298 = arith.constant 5 : i32
        %parallel_loop3A_299 = vector.broadcast %parallel_loop3A_298 : i32 to vector<16xi32>
        %parallel_loop3A_300 = arith.addi %parallel_loop3A_276, %parallel_loop3A_299 : vector<16xi32>
        %parallel_loop3A_301 = tpu.vector_load_idx %arg5[%parallel_loop3A_300] : memref<100000xf32, #tpu.memory_space<vmem>>[vector<16xi32>], vector<16xf32>,
        %parallel_loop3A_302 = arith.constant 6 : i32
        %parallel_loop3A_303 = vector.broadcast %parallel_loop3A_302 : i32 to vector<16xi32>
        %parallel_loop3A_304 = arith.addi %parallel_loop3A_276, %parallel_loop3A_303 : vector<16xi32>
        %parallel_loop3A_305 = tpu.vector_load_idx %arg5[%parallel_loop3A_304] : memref<100000xf32, #tpu.memory_space<vmem>>[vector<16xi32>], vector<16xf32>,
        %parallel_loop3A_306 = arith.constant 7 : i32
        %parallel_loop3A_307 = vector.broadcast %parallel_loop3A_306 : i32 to vector<16xi32>
        %parallel_loop3A_308 = arith.addi %parallel_loop3A_276, %parallel_loop3A_307 : vector<16xi32>
        %parallel_loop3A_309 = tpu.vector_load_idx %arg5[%parallel_loop3A_308] : memref<100000xf32, #tpu.memory_space<vmem>>[vector<16xi32>], vector<16xf32>,
        %parallel_loop3A_310 = arith.constant 8 : i32
        %parallel_loop3A_311 = vector.broadcast %parallel_loop3A_310 : i32 to vector<16xi32>
        %parallel_loop3A_312 = arith.addi %parallel_loop3A_276, %parallel_loop3A_311 : vector<16xi32>
        %parallel_loop3A_313 = tpu.vector_load_idx %arg5[%parallel_loop3A_312] : memref<100000xf32, #tpu.memory_space<vmem>>[vector<16xi32>], vector<16xf32>,
        %parallel_loop3A_314 = arith.constant 9 : i32
        %parallel_loop3A_315 = vector.broadcast %parallel_loop3A_314 : i32 to vector<16xi32>
        %parallel_loop3A_316 = arith.addi %parallel_loop3A_276, %parallel_loop3A_315 : vector<16xi32>
        %parallel_loop3A_317 = tpu.vector_load_idx %arg5[%parallel_loop3A_316] : memref<100000xf32, #tpu.memory_space<vmem>>[vector<16xi32>], vector<16xf32>,
        %parallel_loop3A_318 = arith.constant 10 : i32
        %parallel_loop3A_319 = vector.broadcast %parallel_loop3A_318 : i32 to vector<16xi32>
        %parallel_loop3A_320 = arith.addi %parallel_loop3A_276, %parallel_loop3A_319 : vector<16xi32>
        %parallel_loop3A_321 = tpu.vector_load_idx %arg5[%parallel_loop3A_320] : memref<100000xf32, #tpu.memory_space<vmem>>[vector<16xi32>], vector<16xf32>,
        %parallel_loop3A_322 = arith.constant 11 : i32
        %parallel_loop3A_323 = vector.broadcast %parallel_loop3A_322 : i32 to vector<16xi32>
        %parallel_loop3A_324 = arith.addi %parallel_loop3A_276, %parallel_loop3A_323 : vector<16xi32>
        %parallel_loop3A_325 = tpu.vector_load_idx %arg5[%parallel_loop3A_324] : memref<100000xf32, #tpu.memory_space<vmem>>[vector<16xi32>], vector<16xf32>,
        %parallel_loop3A_326 = arith.constant 12 : i32
        %parallel_loop3A_327 = vector.broadcast %parallel_loop3A_326 : i32 to vector<16xi32>
        %parallel_loop3A_328 = arith.addi %parallel_loop3A_276, %parallel_loop3A_327 : vector<16xi32>
        %parallel_loop3A_329 = tpu.vector_load_idx %arg5[%parallel_loop3A_328] : memref<100000xf32, #tpu.memory_space<vmem>>[vector<16xi32>], vector<16xf32>,
        %parallel_loop3A_330 = arith.constant 13 : i32
        %parallel_loop3A_331 = vector.broadcast %parallel_loop3A_330 : i32 to vector<16xi32>
        %parallel_loop3A_332 = arith.addi %parallel_loop3A_276, %parallel_loop3A_331 : vector<16xi32>
        %parallel_loop3A_333 = tpu.vector_load_idx %arg5[%parallel_loop3A_332] : memref<100000xf32, #tpu.memory_space<vmem>>[vector<16xi32>], vector<16xf32>,
        %parallel_loop3A_334 = arith.constant 14 : i32
        %parallel_loop3A_335 = vector.broadcast %parallel_loop3A_334 : i32 to vector<16xi32>
        %parallel_loop3A_336 = arith.addi %parallel_loop3A_276, %parallel_loop3A_335 : vector<16xi32>
        %parallel_loop3A_337 = tpu.vector_load_idx %arg5[%parallel_loop3A_336] : memref<100000xf32, #tpu.memory_space<vmem>>[vector<16xi32>], vector<16xf32>,
        %parallel_loop3A_338 = arith.constant 15 : i32
        %parallel_loop3A_339 = vector.broadcast %parallel_loop3A_338 : i32 to vector<16xi32>
        %parallel_loop3A_340 = arith.addi %parallel_loop3A_276, %parallel_loop3A_339 : vector<16xi32>
        %parallel_loop3A_341 = tpu.vector_load_idx %arg5[%parallel_loop3A_340] : memref<100000xf32, #tpu.memory_space<vmem>>[vector<16xi32>], vector<16xf32>,
        %parallel_loop3A_342 = arith.addf %parallel_loop3A_281, %parallel_loop3A_285 : vector<16xf32>
        %parallel_loop3A_343 = arith.addf %parallel_loop3A_289, %parallel_loop3A_293 : vector<16xf32>
        %parallel_loop3A_344 = arith.addf %parallel_loop3A_297, %parallel_loop3A_301 : vector<16xf32>
        %parallel_loop3A_345 = arith.addf %parallel_loop3A_305, %parallel_loop3A_309 : vector<16xf32>
        %parallel_loop3A_346 = arith.addf %parallel_loop3A_313, %parallel_loop3A_317 : vector<16xf32>
        %parallel_loop3A_347 = arith.addf %parallel_loop3A_321, %parallel_loop3A_325 : vector<16xf32>
        %parallel_loop3A_348 = arith.addf %parallel_loop3A_329, %parallel_loop3A_333 : vector<16xf32>
        %parallel_loop3A_349 = arith.addf %parallel_loop3A_337, %parallel_loop3A_341 : vector<16xf32>
        %parallel_loop3A_350 = arith.addf %parallel_loop3A_342, %parallel_loop3A_343 : vector<16xf32>
        %parallel_loop3A_351 = arith.addf %parallel_loop3A_344, %parallel_loop3A_345 : vector<16xf32>
        %parallel_loop3A_352 = arith.addf %parallel_loop3A_346, %parallel_loop3A_347 : vector<16xf32>
        %parallel_loop3A_353 = arith.addf %parallel_loop3A_348, %parallel_loop3A_349 : vector<16xf32>
        %parallel_loop3A_354 = arith.addf %parallel_loop3A_350, %parallel_loop3A_351 : vector<16xf32>
        %parallel_loop3A_355 = arith.addf %parallel_loop3A_352, %parallel_loop3A_353 : vector<16xf32>
        %parallel_loop3A_356 = arith.addf %parallel_loop3A_354, %parallel_loop3A_355 : vector<16xf32>
        %parallel_loop3A_357 = arith.addf %parallel_loop3A_275, %parallel_loop3A_356 : vector<16xf32>
        tpu.vector_store_idx %arg6[%parallel_loop3A_277], %parallel_loop3A_357 : memref<6256xf32, #tpu.memory_space<vmem>>[vector<16xi32>], vector<16xf32>,
        %parallel_loop3A_358 = arith.constant 16 : i32
        %parallel_loop3A_359 = vector.broadcast %parallel_loop3A_358 : i32 to vector<16xi32>
        %parallel_loop3A_360 = arith.addi %parallel_loop3A_276, %parallel_loop3A_359 : vector<16xi32>
        %parallel_loop3A_361 = arith.constant 1 : i32
        %parallel_loop3A_362 = vector.broadcast %parallel_loop3A_361 : i32 to vector<16xi32>
        %parallel_loop3A_363 = arith.addi %parallel_loop3A_277, %parallel_loop3A_362 : vector<16xi32>
        scf.yield %parallel_loop3A_357, %parallel_loop3A_360, %parallel_loop3A_363 : vector<16xf32>, vector<16xi32>, vector<16xi32>
      } {sc.loop_unroll_factor = 1 : i64, sc.parallel_access}
      %broadcast_in_dim3A_101 = arith.constant true
      %broadcast_in_dim3A_102 = vector.broadcast %broadcast_in_dim3A_101 : i1 to vector<16xi1>
      %masked_cumsum3A = tpu.scan <sum>, %parallel_loop3A_77#0 masked %broadcast_in_dim3A_102 : vector<16xf32>, vector<16xi1> -> vector<16xf32>
      %sub3A = arith.subf %masked_cumsum3A, %parallel_loop3A_77#0 : vector<16xf32>
      %swap3A = arith.constant 0 : index
      %swap3A_103 = tpu.vector_load %arg9[%swap3A] {strides = array<i32>} : memref<16xf32, #tpu.memory_space<vmem>>, vector<16xf32>,
      tpu.vector_store %arg9[%swap3A], %masked_cumsum3A {strides = array<i32>} : memref<16xf32, #tpu.memory_space<vmem>>, vector<16xf32>,
      %broadcast_in_dim3A_104 = arith.constant 15 : i32
      %broadcast_in_dim3A_105 = vector.broadcast %broadcast_in_dim3A_104 : i32 to vector<16xi32>
      %gather3A = tpu.vector_load_idx %arg9[%broadcast_in_dim3A_105] : memref<16xf32, #tpu.memory_space<vmem>>[vector<16xi32>], vector<16xf32>,
      %broadcast_in_dim3A_106 = arith.constant true
      %broadcast_in_dim3A_107 = vector.broadcast %broadcast_in_dim3A_106 : i1 to vector<16xi1>
      %masked_cumsum3A_108 = tpu.scan <sum>, %parallel_loop3A_100#0 masked %broadcast_in_dim3A_107 : vector<16xf32>, vector<16xi1> -> vector<16xf32>
      %sub3A_109 = arith.subf %masked_cumsum3A_108, %parallel_loop3A_100#0 : vector<16xf32>
      %add3A_110 = arith.addf %sub3A_109, %gather3A : vector<16xf32>
      %add3A_111 = arith.addf %masked_cumsum3A_108, %gather3A : vector<16xf32>
      %swap3A_112 = arith.constant 0 : index
      %swap3A_113 = tpu.vector_load %arg9[%swap3A_112] {strides = array<i32>} : memref<16xf32, #tpu.memory_space<vmem>>, vector<16xf32>,
      tpu.vector_store %arg9[%swap3A_112], %add3A_111 {strides = array<i32>} : memref<16xf32, #tpu.memory_space<vmem>>, vector<16xf32>,
      %broadcast_in_dim3A_114 = arith.constant 15 : i32
      %broadcast_in_dim3A_115 = vector.broadcast %broadcast_in_dim3A_114 : i32 to vector<16xi32>
      %gather3A_116 = tpu.vector_load_idx %arg9[%broadcast_in_dim3A_115] : memref<16xf32, #tpu.memory_space<vmem>>[vector<16xi32>], vector<16xf32>,
      %parallel_loop3A_117 = arith.constant 0 : i32
      %parallel_loop3A_118 = arith.constant 195 : i32
      %parallel_loop3A_119 = arith.constant 1 : i32
      scf.for %parallel_loop3A_274 = %parallel_loop3A_117 to %parallel_loop3A_118 step %parallel_loop3A_119  : i32 {
        %parallel_loop3A_275 = arith.constant 0 : i32
        %parallel_loop3A_276 = arith.addi %parallel_loop3A_275, %parallel_loop3A_274 : i32
        %parallel_loop3A_277 = vector.broadcast %parallel_loop3A_276 : i32 to vector<16xi32>
        %parallel_loop3A_278 = arith.addi %mul3A_3, %parallel_loop3A_277 : vector<16xi32>
        %parallel_loop3A_279 = tpu.vector_load_idx %arg6[%parallel_loop3A_278] : memref<6256xf32, #tpu.memory_space<vmem>>[vector<16xi32>], vector<16xf32>,
        %parallel_loop3A_280 = arith.addf %parallel_loop3A_279, %sub3A : vector<16xf32>
        tpu.vector_store_idx %arg6[%parallel_loop3A_278], %parallel_loop3A_280 : memref<6256xf32, #tpu.memory_space<vmem>>[vector<16xi32>], vector<16xf32>,
      } {sc.loop_unroll_factor = 1 : i64, sc.parallel_access}
      %parallel_loop3A_120 = arith.constant 0 : i32
      %parallel_loop3A_121 = arith.constant 195 : i32
      %parallel_loop3A_122 = arith.constant 1 : i32
      scf.for %parallel_loop3A_274 = %parallel_loop3A_120 to %parallel_loop3A_121 step %parallel_loop3A_122  : i32 {
        %parallel_loop3A_275 = arith.constant 3120 : i32
        %parallel_loop3A_276 = arith.addi %parallel_loop3A_275, %parallel_loop3A_274 : i32
        %parallel_loop3A_277 = vector.broadcast %parallel_loop3A_276 : i32 to vector<16xi32>
        %parallel_loop3A_278 = arith.addi %mul3A_3, %parallel_loop3A_277 : vector<16xi32>
        %parallel_loop3A_279 = tpu.vector_load_idx %arg6[%parallel_loop3A_278] : memref<6256xf32, #tpu.memory_space<vmem>>[vector<16xi32>], vector<16xf32>,
        %parallel_loop3A_280 = arith.addf %parallel_loop3A_279, %add3A_110 : vector<16xf32>
        tpu.vector_store_idx %arg6[%parallel_loop3A_278], %parallel_loop3A_280 : memref<6256xf32, #tpu.memory_space<vmem>>[vector<16xi32>], vector<16xf32>,
      } {sc.loop_unroll_factor = 1 : i64, sc.parallel_access}
      %dma_wait3A_123 = arith.constant 99840 : i32
      %dma_wait3A_124 = tpu.memref_slice %arg5[%dma_wait3A_123] : memref<100000xf32, #tpu.memory_space<vmem>> -> memref<160xf32, #tpu.memory_space<vmem>>
      %dma_wait3A_125 = arith.constant 99840 : i32
      %dma_wait3A_126 = tpu.memref_slice %arg2[%add3A_27, %dma_wait3A_125] : memref<128x100000xf32, #tpu.memory_space<hbm>> -> memref<1x160xf32, #tpu.memory_space<hbm>>
      %dma_wait3A_127 = tpu.memref_squeeze %dma_wait3A_126 : memref<1x160xf32, #tpu.memory_space<hbm>> -> memref<160xf32, #tpu.memory_space<hbm>>
      %dma_wait3A_128 = arith.constant 99840 : i32
      %dma_wait3A_129 = tpu.memref_slice %arg5[%dma_wait3A_128] : memref<100000xf32, #tpu.memory_space<vmem>> -> memref<160xf32, #tpu.memory_space<vmem>>
      %dma_wait3A_130 = arith.constant 99840 : i32
      %dma_wait3A_131 = tpu.memref_slice %arg2[%add3A_27, %dma_wait3A_130] : memref<128x100000xf32, #tpu.memory_space<hbm>> -> memref<1x160xf32, #tpu.memory_space<hbm>>
      %dma_wait3A_132 = tpu.memref_squeeze %dma_wait3A_131 : memref<1x160xf32, #tpu.memory_space<hbm>> -> memref<160xf32, #tpu.memory_space<hbm>>
      tpu.wait_dma2 semaphore(%arg12 : memref<!tpu.dma_semaphore, #tpu.memory_space<semaphore_mem>>) src(%dma_wait3A_132 : memref<160xf32, #tpu.memory_space<hbm>>) dst(%dma_wait3A_129 : memref<160xf32, #tpu.memory_space<vmem>>)
      %eq3A = arith.constant 0 : i32
      %eq3A_133 = vector.broadcast %eq3A : i32 to vector<16xi32>
      %eq3A_134 = arith.cmpi eq, %iota3A, %eq3A_133 : vector<16xi32>
      %get3A = arith.constant 99840 : index
      %get3A_135 = tpu.vector_load %arg5[%get3A] {strides = array<i32>} : memref<100000xf32, #tpu.memory_space<vmem>>, vector<16xf32>,
      %reduce_sum3A = arith.constant true
      %reduce_sum3A_136 = vector.broadcast %reduce_sum3A : i1 to vector<16xi1>
      %reduce_sum3A_137 = tpu.scan <sum>, %get3A_135 masked %reduce_sum3A_136 : vector<16xf32>, vector<16xi1> -> vector<16xf32>
      %reduce_sum3A_138 = vector.extract %reduce_sum3A_137[15] : f32 from vector<16xf32>
      %add3A_139 = vector.broadcast %reduce_sum3A_138 : f32 to vector<16xf32>
      %add3A_140 = arith.addf %gather3A_116, %add3A_139 : vector<16xf32>
      %broadcast_in_dim3A_141 = arith.constant 0 : i32
      %broadcast_in_dim3A_142 = vector.broadcast %broadcast_in_dim3A_141 : i32 to vector<16xi32>
      %add3A_143 = arith.constant 6240 : i32
      %add3A_144 = vector.broadcast %add3A_143 : i32 to vector<16xi32>
      %add3A_145 = arith.addi %add3A_144, %broadcast_in_dim3A_142 : vector<16xi32>
      tpu.vector_store_idx %arg6[%add3A_145], %add3A_140 masked %eq3A_134 : memref<6256xf32, #tpu.memory_space<vmem>>[vector<16xi32>], vector<16xf32>, vector<16xi1>
      %get3A_146 = arith.constant 99856 : index
      %get3A_147 = tpu.vector_load %arg5[%get3A_146] {strides = array<i32>} : memref<100000xf32, #tpu.memory_space<vmem>>, vector<16xf32>,
      %reduce_sum3A_148 = arith.constant true
      %reduce_sum3A_149 = vector.broadcast %reduce_sum3A_148 : i1 to vector<16xi1>
      %reduce_sum3A_150 = tpu.scan <sum>, %get3A_147 masked %reduce_sum3A_149 : vector<16xf32>, vector<16xi1> -> vector<16xf32>
      %reduce_sum3A_151 = vector.extract %reduce_sum3A_150[15] : f32 from vector<16xf32>
      %add3A_152 = vector.broadcast %reduce_sum3A_151 : f32 to vector<16xf32>
      %add3A_153 = arith.addf %add3A_140, %add3A_152 : vector<16xf32>
      %broadcast_in_dim3A_154 = arith.constant 0 : i32
      %broadcast_in_dim3A_155 = vector.broadcast %broadcast_in_dim3A_154 : i32 to vector<16xi32>
      %add3A_156 = arith.constant 6241 : i32
      %add3A_157 = vector.broadcast %add3A_156 : i32 to vector<16xi32>
      %add3A_158 = arith.addi %add3A_157, %broadcast_in_dim3A_155 : vector<16xi32>
      tpu.vector_store_idx %arg6[%add3A_158], %add3A_153 masked %eq3A_134 : memref<6256xf32, #tpu.memory_space<vmem>>[vector<16xi32>], vector<16xf32>, vector<16xi1>
      %get3A_159 = arith.constant 99872 : index
      %get3A_160 = tpu.vector_load %arg5[%get3A_159] {strides = array<i32>} : memref<100000xf32, #tpu.memory_space<vmem>>, vector<16xf32>,
      %reduce_sum3A_161 = arith.constant true
      %reduce_sum3A_162 = vector.broadcast %reduce_sum3A_161 : i1 to vector<16xi1>
      %reduce_sum3A_163 = tpu.scan <sum>, %get3A_160 masked %reduce_sum3A_162 : vector<16xf32>, vector<16xi1> -> vector<16xf32>
      %reduce_sum3A_164 = vector.extract %reduce_sum3A_163[15] : f32 from vector<16xf32>
      %add3A_165 = vector.broadcast %reduce_sum3A_164 : f32 to vector<16xf32>
      %add3A_166 = arith.addf %add3A_153, %add3A_165 : vector<16xf32>
      %broadcast_in_dim3A_167 = arith.constant 0 : i32
      %broadcast_in_dim3A_168 = vector.broadcast %broadcast_in_dim3A_167 : i32 to vector<16xi32>
      %add3A_169 = arith.constant 6242 : i32
      %add3A_170 = vector.broadcast %add3A_169 : i32 to vector<16xi32>
      %add3A_171 = arith.addi %add3A_170, %broadcast_in_dim3A_168 : vector<16xi32>
      tpu.vector_store_idx %arg6[%add3A_171], %add3A_166 masked %eq3A_134 : memref<6256xf32, #tpu.memory_space<vmem>>[vector<16xi32>], vector<16xf32>, vector<16xi1>
      %get3A_172 = arith.constant 99888 : index
      %get3A_173 = tpu.vector_load %arg5[%get3A_172] {strides = array<i32>} : memref<100000xf32, #tpu.memory_space<vmem>>, vector<16xf32>,
      %reduce_sum3A_174 = arith.constant true
      %reduce_sum3A_175 = vector.broadcast %reduce_sum3A_174 : i1 to vector<16xi1>
      %reduce_sum3A_176 = tpu.scan <sum>, %get3A_173 masked %reduce_sum3A_175 : vector<16xf32>, vector<16xi1> -> vector<16xf32>
      %reduce_sum3A_177 = vector.extract %reduce_sum3A_176[15] : f32 from vector<16xf32>
      %add3A_178 = vector.broadcast %reduce_sum3A_177 : f32 to vector<16xf32>
      %add3A_179 = arith.addf %add3A_166, %add3A_178 : vector<16xf32>
      %broadcast_in_dim3A_180 = arith.constant 0 : i32
      %broadcast_in_dim3A_181 = vector.broadcast %broadcast_in_dim3A_180 : i32 to vector<16xi32>
      %add3A_182 = arith.constant 6243 : i32
      %add3A_183 = vector.broadcast %add3A_182 : i32 to vector<16xi32>
      %add3A_184 = arith.addi %add3A_183, %broadcast_in_dim3A_181 : vector<16xi32>
      tpu.vector_store_idx %arg6[%add3A_184], %add3A_179 masked %eq3A_134 : memref<6256xf32, #tpu.memory_space<vmem>>[vector<16xi32>], vector<16xf32>, vector<16xi1>
      %get3A_185 = arith.constant 99904 : index
      %get3A_186 = tpu.vector_load %arg5[%get3A_185] {strides = array<i32>} : memref<100000xf32, #tpu.memory_space<vmem>>, vector<16xf32>,
      %reduce_sum3A_187 = arith.constant true
      %reduce_sum3A_188 = vector.broadcast %reduce_sum3A_187 : i1 to vector<16xi1>
      %reduce_sum3A_189 = tpu.scan <sum>, %get3A_186 masked %reduce_sum3A_188 : vector<16xf32>, vector<16xi1> -> vector<16xf32>
      %reduce_sum3A_190 = vector.extract %reduce_sum3A_189[15] : f32 from vector<16xf32>
      %add3A_191 = vector.broadcast %reduce_sum3A_190 : f32 to vector<16xf32>
      %add3A_192 = arith.addf %add3A_179, %add3A_191 : vector<16xf32>
      %broadcast_in_dim3A_193 = arith.constant 0 : i32
      %broadcast_in_dim3A_194 = vector.broadcast %broadcast_in_dim3A_193 : i32 to vector<16xi32>
      %add3A_195 = arith.constant 6244 : i32
      %add3A_196 = vector.broadcast %add3A_195 : i32 to vector<16xi32>
      %add3A_197 = arith.addi %add3A_196, %broadcast_in_dim3A_194 : vector<16xi32>
      tpu.vector_store_idx %arg6[%add3A_197], %add3A_192 masked %eq3A_134 : memref<6256xf32, #tpu.memory_space<vmem>>[vector<16xi32>], vector<16xf32>, vector<16xi1>
      %get3A_198 = arith.constant 99920 : index
      %get3A_199 = tpu.vector_load %arg5[%get3A_198] {strides = array<i32>} : memref<100000xf32, #tpu.memory_space<vmem>>, vector<16xf32>,
      %reduce_sum3A_200 = arith.constant true
      %reduce_sum3A_201 = vector.broadcast %reduce_sum3A_200 : i1 to vector<16xi1>
      %reduce_sum3A_202 = tpu.scan <sum>, %get3A_199 masked %reduce_sum3A_201 : vector<16xf32>, vector<16xi1> -> vector<16xf32>
      %reduce_sum3A_203 = vector.extract %reduce_sum3A_202[15] : f32 from vector<16xf32>
      %add3A_204 = vector.broadcast %reduce_sum3A_203 : f32 to vector<16xf32>
      %add3A_205 = arith.addf %add3A_192, %add3A_204 : vector<16xf32>
      %broadcast_in_dim3A_206 = arith.constant 0 : i32
      %broadcast_in_dim3A_207 = vector.broadcast %broadcast_in_dim3A_206 : i32 to vector<16xi32>
      %add3A_208 = arith.constant 6245 : i32
      %add3A_209 = vector.broadcast %add3A_208 : i32 to vector<16xi32>
      %add3A_210 = arith.addi %add3A_209, %broadcast_in_dim3A_207 : vector<16xi32>
      tpu.vector_store_idx %arg6[%add3A_210], %add3A_205 masked %eq3A_134 : memref<6256xf32, #tpu.memory_space<vmem>>[vector<16xi32>], vector<16xf32>, vector<16xi1>
      %get3A_211 = arith.constant 99936 : index
      %get3A_212 = tpu.vector_load %arg5[%get3A_211] {strides = array<i32>} : memref<100000xf32, #tpu.memory_space<vmem>>, vector<16xf32>,
      %reduce_sum3A_213 = arith.constant true
      %reduce_sum3A_214 = vector.broadcast %reduce_sum3A_213 : i1 to vector<16xi1>
      %reduce_sum3A_215 = tpu.scan <sum>, %get3A_212 masked %reduce_sum3A_214 : vector<16xf32>, vector<16xi1> -> vector<16xf32>
      %reduce_sum3A_216 = vector.extract %reduce_sum3A_215[15] : f32 from vector<16xf32>
      %add3A_217 = vector.broadcast %reduce_sum3A_216 : f32 to vector<16xf32>
      %add3A_218 = arith.addf %add3A_205, %add3A_217 : vector<16xf32>
      %broadcast_in_dim3A_219 = arith.constant 0 : i32
      %broadcast_in_dim3A_220 = vector.broadcast %broadcast_in_dim3A_219 : i32 to vector<16xi32>
      %add3A_221 = arith.constant 6246 : i32
      %add3A_222 = vector.broadcast %add3A_221 : i32 to vector<16xi32>
      %add3A_223 = arith.addi %add3A_222, %broadcast_in_dim3A_220 : vector<16xi32>
      tpu.vector_store_idx %arg6[%add3A_223], %add3A_218 masked %eq3A_134 : memref<6256xf32, #tpu.memory_space<vmem>>[vector<16xi32>], vector<16xf32>, vector<16xi1>
      %get3A_224 = arith.constant 99952 : index
      %get3A_225 = tpu.vector_load %arg5[%get3A_224] {strides = array<i32>} : memref<100000xf32, #tpu.memory_space<vmem>>, vector<16xf32>,
      %reduce_sum3A_226 = arith.constant true
      %reduce_sum3A_227 = vector.broadcast %reduce_sum3A_226 : i1 to vector<16xi1>
      %reduce_sum3A_228 = tpu.scan <sum>, %get3A_225 masked %reduce_sum3A_227 : vector<16xf32>, vector<16xi1> -> vector<16xf32>
      %reduce_sum3A_229 = vector.extract %reduce_sum3A_228[15] : f32 from vector<16xf32>
      %add3A_230 = vector.broadcast %reduce_sum3A_229 : f32 to vector<16xf32>
      %add3A_231 = arith.addf %add3A_218, %add3A_230 : vector<16xf32>
      %broadcast_in_dim3A_232 = arith.constant 0 : i32
      %broadcast_in_dim3A_233 = vector.broadcast %broadcast_in_dim3A_232 : i32 to vector<16xi32>
      %add3A_234 = arith.constant 6247 : i32
      %add3A_235 = vector.broadcast %add3A_234 : i32 to vector<16xi32>
      %add3A_236 = arith.addi %add3A_235, %broadcast_in_dim3A_233 : vector<16xi32>
      tpu.vector_store_idx %arg6[%add3A_236], %add3A_231 masked %eq3A_134 : memref<6256xf32, #tpu.memory_space<vmem>>[vector<16xi32>], vector<16xf32>, vector<16xi1>
      %get3A_237 = arith.constant 99968 : index
      %get3A_238 = tpu.vector_load %arg5[%get3A_237] {strides = array<i32>} : memref<100000xf32, #tpu.memory_space<vmem>>, vector<16xf32>,
      %reduce_sum3A_239 = arith.constant true
      %reduce_sum3A_240 = vector.broadcast %reduce_sum3A_239 : i1 to vector<16xi1>
      %reduce_sum3A_241 = tpu.scan <sum>, %get3A_238 masked %reduce_sum3A_240 : vector<16xf32>, vector<16xi1> -> vector<16xf32>
      %reduce_sum3A_242 = vector.extract %reduce_sum3A_241[15] : f32 from vector<16xf32>
      %add3A_243 = vector.broadcast %reduce_sum3A_242 : f32 to vector<16xf32>
      %add3A_244 = arith.addf %add3A_231, %add3A_243 : vector<16xf32>
      %broadcast_in_dim3A_245 = arith.constant 0 : i32
      %broadcast_in_dim3A_246 = vector.broadcast %broadcast_in_dim3A_245 : i32 to vector<16xi32>
      %add3A_247 = arith.constant 6248 : i32
      %add3A_248 = vector.broadcast %add3A_247 : i32 to vector<16xi32>
      %add3A_249 = arith.addi %add3A_248, %broadcast_in_dim3A_246 : vector<16xi32>
      tpu.vector_store_idx %arg6[%add3A_249], %add3A_244 masked %eq3A_134 : memref<6256xf32, #tpu.memory_space<vmem>>[vector<16xi32>], vector<16xf32>, vector<16xi1>
      %get3A_250 = arith.constant 99984 : index
      %get3A_251 = tpu.vector_load %arg5[%get3A_250] {strides = array<i32>} : memref<100000xf32, #tpu.memory_space<vmem>>, vector<16xf32>,
      %reduce_sum3A_252 = arith.constant true
      %reduce_sum3A_253 = vector.broadcast %reduce_sum3A_252 : i1 to vector<16xi1>
      %reduce_sum3A_254 = tpu.scan <sum>, %get3A_251 masked %reduce_sum3A_253 : vector<16xf32>, vector<16xi1> -> vector<16xf32>
      %reduce_sum3A_255 = vector.extract %reduce_sum3A_254[15] : f32 from vector<16xf32>
      %add3A_256 = vector.broadcast %reduce_sum3A_255 : f32 to vector<16xf32>
      %add3A_257 = arith.addf %add3A_244, %add3A_256 : vector<16xf32>
      %broadcast_in_dim3A_258 = arith.constant 0 : i32
      %broadcast_in_dim3A_259 = vector.broadcast %broadcast_in_dim3A_258 : i32 to vector<16xi32>
      %add3A_260 = arith.constant 6249 : i32
      %add3A_261 = vector.broadcast %add3A_260 : i32 to vector<16xi32>
      %add3A_262 = arith.addi %add3A_261, %broadcast_in_dim3A_259 : vector<16xi32>
      tpu.vector_store_idx %arg6[%add3A_262], %add3A_257 masked %eq3A_134 : memref<6256xf32, #tpu.memory_space<vmem>>[vector<16xi32>], vector<16xf32>, vector<16xi1>
      %broadcast_in_dim3A_263 = arith.constant 6249 : i32
      %broadcast_in_dim3A_264 = vector.broadcast %broadcast_in_dim3A_263 : i32 to vector<16xi32>
      %gather3A_265 = tpu.vector_load_idx %arg6[%broadcast_in_dim3A_264] : memref<6256xf32, #tpu.memory_space<vmem>>[vector<16xi32>], vector<16xf32>,
      %scan3A_266 = arith.constant 0 : i32
      %scan3A_267 = arith.constant 0 : i32
      %scan3A_268 = arith.constant 8 : i32
      %scan3A_269 = arith.addi %scan3A_267, %scan3A_268 : i32
      %scan3A_270 = arith.constant 1 : i32
      %scan3A_271 = scf.for %scan3A_274 = %scan3A_267 to %scan3A_269 step %scan3A_270 iter_args(%scan3A_275 = %scan3A_266) -> (i32)  : i32 {
        %mul3A_276 = arith.constant 256 : i32
        %mul3A_277 = arith.muli %scan3A_23, %mul3A_276 : i32
        %mul3A_278 = arith.constant 16 : i32
        %mul3A_279 = arith.muli %scan3A_274, %mul3A_278 : i32
        %add3A_280 = arith.addi %mul3A_277, %mul3A_279 : i32
        %add3A_281 = arith.constant 128 : i32
        %add3A_282 = arith.addi %add3A_280, %add3A_281 : i32
        %get3A_283 = arith.index_cast %add3A_280 : i32 to index
        %get3A_284 = tpu.vector_load %arg7[%get3A_283] {strides = array<i32>} : memref<1024xf32, #tpu.memory_space<vmem>>, vector<16xf32>,
        %mul3A_285 = arith.mulf %get3A_284, %gather3A_265 : vector<16xf32>
        %add3A_286 = arith.constant 4096 : i32
        %add3A_287 = vector.broadcast %add3A_286 : i32 to vector<16xi32>
        %add3A_288 = arith.addi %broadcast_in_dim3A_6, %add3A_287 : vector<16xi32>
        %sub3A_289 = arith.constant 1 : i32
        %sub3A_290 = vector.broadcast %sub3A_289 : i32 to vector<16xi32>
        %sub3A_291 = arith.subi %add3A_288, %sub3A_290 : vector<16xi32>
        %min3A = arith.constant 6255 : i32
        %min3A_292 = vector.broadcast %min3A : i32 to vector<16xi32>
        %min3A_293 = arith.minsi %sub3A_291, %min3A_292 : vector<16xi32>
        %gather3A_294 = tpu.vector_load_idx %arg6[%min3A_293] : memref<6256xf32, #tpu.memory_space<vmem>>[vector<16xi32>], vector<16xf32>,
        %le3A = arith.constant 6250 : i32
        %le3A_295 = vector.broadcast %le3A : i32 to vector<16xi32>
        %le3A_296 = arith.cmpi sle, %add3A_288, %le3A_295 : vector<16xi32>
        %le3A_297 = arith.cmpf ole, %gather3A_294, %mul3A_285 : vector<16xf32>
        %and3A = arith.andi %le3A_296, %le3A_297 : vector<16xi1>
        %select_n3A = arith.select %and3A, %add3A_288, %broadcast_in_dim3A_6 : vector<16xi1>, vector<16xi32>
        %add3A_298 = arith.constant 2048 : i32
        %add3A_299 = vector.broadcast %add3A_298 : i32 to vector<16xi32>
        %add3A_300 = arith.addi %select_n3A, %add3A_299 : vector<16xi32>
        %sub3A_301 = arith.constant 1 : i32
        %sub3A_302 = vector.broadcast %sub3A_301 : i32 to vector<16xi32>
        %sub3A_303 = arith.subi %add3A_300, %sub3A_302 : vector<16xi32>
        %min3A_304 = arith.constant 6255 : i32
        %min3A_305 = vector.broadcast %min3A_304 : i32 to vector<16xi32>
        %min3A_306 = arith.minsi %sub3A_303, %min3A_305 : vector<16xi32>
        %gather3A_307 = tpu.vector_load_idx %arg6[%min3A_306] : memref<6256xf32, #tpu.memory_space<vmem>>[vector<16xi32>], vector<16xf32>,
        %le3A_308 = arith.constant 6250 : i32
        %le3A_309 = vector.broadcast %le3A_308 : i32 to vector<16xi32>
        %le3A_310 = arith.cmpi sle, %add3A_300, %le3A_309 : vector<16xi32>
        %le3A_311 = arith.cmpf ole, %gather3A_307, %mul3A_285 : vector<16xf32>
        %and3A_312 = arith.andi %le3A_310, %le3A_311 : vector<16xi1>
        %select_n3A_313 = arith.select %and3A_312, %add3A_300, %select_n3A : vector<16xi1>, vector<16xi32>
        %add3A_314 = arith.constant 1024 : i32
        %add3A_315 = vector.broadcast %add3A_314 : i32 to vector<16xi32>
        %add3A_316 = arith.addi %select_n3A_313, %add3A_315 : vector<16xi32>
        %sub3A_317 = arith.constant 1 : i32
        %sub3A_318 = vector.broadcast %sub3A_317 : i32 to vector<16xi32>
        %sub3A_319 = arith.subi %add3A_316, %sub3A_318 : vector<16xi32>
        %min3A_320 = arith.constant 6255 : i32
        %min3A_321 = vector.broadcast %min3A_320 : i32 to vector<16xi32>
        %min3A_322 = arith.minsi %sub3A_319, %min3A_321 : vector<16xi32>
        %gather3A_323 = tpu.vector_load_idx %arg6[%min3A_322] : memref<6256xf32, #tpu.memory_space<vmem>>[vector<16xi32>], vector<16xf32>,
        %le3A_324 = arith.constant 6250 : i32
        %le3A_325 = vector.broadcast %le3A_324 : i32 to vector<16xi32>
        %le3A_326 = arith.cmpi sle, %add3A_316, %le3A_325 : vector<16xi32>
        %le3A_327 = arith.cmpf ole, %gather3A_323, %mul3A_285 : vector<16xf32>
        %and3A_328 = arith.andi %le3A_326, %le3A_327 : vector<16xi1>
        %select_n3A_329 = arith.select %and3A_328, %add3A_316, %select_n3A_313 : vector<16xi1>, vector<16xi32>
        %add3A_330 = arith.constant 512 : i32
        %add3A_331 = vector.broadcast %add3A_330 : i32 to vector<16xi32>
        %add3A_332 = arith.addi %select_n3A_329, %add3A_331 : vector<16xi32>
        %sub3A_333 = arith.constant 1 : i32
        %sub3A_334 = vector.broadcast %sub3A_333 : i32 to vector<16xi32>
        %sub3A_335 = arith.subi %add3A_332, %sub3A_334 : vector<16xi32>
        %min3A_336 = arith.constant 6255 : i32
        %min3A_337 = vector.broadcast %min3A_336 : i32 to vector<16xi32>
        %min3A_338 = arith.minsi %sub3A_335, %min3A_337 : vector<16xi32>
        %gather3A_339 = tpu.vector_load_idx %arg6[%min3A_338] : memref<6256xf32, #tpu.memory_space<vmem>>[vector<16xi32>], vector<16xf32>,
        %le3A_340 = arith.constant 6250 : i32
        %le3A_341 = vector.broadcast %le3A_340 : i32 to vector<16xi32>
        %le3A_342 = arith.cmpi sle, %add3A_332, %le3A_341 : vector<16xi32>
        %le3A_343 = arith.cmpf ole, %gather3A_339, %mul3A_285 : vector<16xf32>
        %and3A_344 = arith.andi %le3A_342, %le3A_343 : vector<16xi1>
        %select_n3A_345 = arith.select %and3A_344, %add3A_332, %select_n3A_329 : vector<16xi1>, vector<16xi32>
        %add3A_346 = arith.constant 256 : i32
        %add3A_347 = vector.broadcast %add3A_346 : i32 to vector<16xi32>
        %add3A_348 = arith.addi %select_n3A_345, %add3A_347 : vector<16xi32>
        %sub3A_349 = arith.constant 1 : i32
        %sub3A_350 = vector.broadcast %sub3A_349 : i32 to vector<16xi32>
        %sub3A_351 = arith.subi %add3A_348, %sub3A_350 : vector<16xi32>
        %min3A_352 = arith.constant 6255 : i32
        %min3A_353 = vector.broadcast %min3A_352 : i32 to vector<16xi32>
        %min3A_354 = arith.minsi %sub3A_351, %min3A_353 : vector<16xi32>
        %gather3A_355 = tpu.vector_load_idx %arg6[%min3A_354] : memref<6256xf32, #tpu.memory_space<vmem>>[vector<16xi32>], vector<16xf32>,
        %le3A_356 = arith.constant 6250 : i32
        %le3A_357 = vector.broadcast %le3A_356 : i32 to vector<16xi32>
        %le3A_358 = arith.cmpi sle, %add3A_348, %le3A_357 : vector<16xi32>
        %le3A_359 = arith.cmpf ole, %gather3A_355, %mul3A_285 : vector<16xf32>
        %and3A_360 = arith.andi %le3A_358, %le3A_359 : vector<16xi1>
        %select_n3A_361 = arith.select %and3A_360, %add3A_348, %select_n3A_345 : vector<16xi1>, vector<16xi32>
        %add3A_362 = arith.constant 128 : i32
        %add3A_363 = vector.broadcast %add3A_362 : i32 to vector<16xi32>
        %add3A_364 = arith.addi %select_n3A_361, %add3A_363 : vector<16xi32>
        %sub3A_365 = arith.constant 1 : i32
        %sub3A_366 = vector.broadcast %sub3A_365 : i32 to vector<16xi32>
        %sub3A_367 = arith.subi %add3A_364, %sub3A_366 : vector<16xi32>
        %min3A_368 = arith.constant 6255 : i32
        %min3A_369 = vector.broadcast %min3A_368 : i32 to vector<16xi32>
        %min3A_370 = arith.minsi %sub3A_367, %min3A_369 : vector<16xi32>
        %gather3A_371 = tpu.vector_load_idx %arg6[%min3A_370] : memref<6256xf32, #tpu.memory_space<vmem>>[vector<16xi32>], vector<16xf32>,
        %le3A_372 = arith.constant 6250 : i32
        %le3A_373 = vector.broadcast %le3A_372 : i32 to vector<16xi32>
        %le3A_374 = arith.cmpi sle, %add3A_364, %le3A_373 : vector<16xi32>
        %le3A_375 = arith.cmpf ole, %gather3A_371, %mul3A_285 : vector<16xf32>
        %and3A_376 = arith.andi %le3A_374, %le3A_375 : vector<16xi1>
        %select_n3A_377 = arith.select %and3A_376, %add3A_364, %select_n3A_361 : vector<16xi1>, vector<16xi32>
        %add3A_378 = arith.constant 64 : i32
        %add3A_379 = vector.broadcast %add3A_378 : i32 to vector<16xi32>
        %add3A_380 = arith.addi %select_n3A_377, %add3A_379 : vector<16xi32>
        %sub3A_381 = arith.constant 1 : i32
        %sub3A_382 = vector.broadcast %sub3A_381 : i32 to vector<16xi32>
        %sub3A_383 = arith.subi %add3A_380, %sub3A_382 : vector<16xi32>
        %min3A_384 = arith.constant 6255 : i32
        %min3A_385 = vector.broadcast %min3A_384 : i32 to vector<16xi32>
        %min3A_386 = arith.minsi %sub3A_383, %min3A_385 : vector<16xi32>
        %gather3A_387 = tpu.vector_load_idx %arg6[%min3A_386] : memref<6256xf32, #tpu.memory_space<vmem>>[vector<16xi32>], vector<16xf32>,
        %le3A_388 = arith.constant 6250 : i32
        %le3A_389 = vector.broadcast %le3A_388 : i32 to vector<16xi32>
        %le3A_390 = arith.cmpi sle, %add3A_380, %le3A_389 : vector<16xi32>
        %le3A_391 = arith.cmpf ole, %gather3A_387, %mul3A_285 : vector<16xf32>
        %and3A_392 = arith.andi %le3A_390, %le3A_391 : vector<16xi1>
        %select_n3A_393 = arith.select %and3A_392, %add3A_380, %select_n3A_377 : vector<16xi1>, vector<16xi32>
        %add3A_394 = arith.constant 32 : i32
        %add3A_395 = vector.broadcast %add3A_394 : i32 to vector<16xi32>
        %add3A_396 = arith.addi %select_n3A_393, %add3A_395 : vector<16xi32>
        %sub3A_397 = arith.constant 1 : i32
        %sub3A_398 = vector.broadcast %sub3A_397 : i32 to vector<16xi32>
        %sub3A_399 = arith.subi %add3A_396, %sub3A_398 : vector<16xi32>
        %min3A_400 = arith.constant 6255 : i32
        %min3A_401 = vector.broadcast %min3A_400 : i32 to vector<16xi32>
        %min3A_402 = arith.minsi %sub3A_399, %min3A_401 : vector<16xi32>
        %gather3A_403 = tpu.vector_load_idx %arg6[%min3A_402] : memref<6256xf32, #tpu.memory_space<vmem>>[vector<16xi32>], vector<16xf32>,
        %le3A_404 = arith.constant 6250 : i32
        %le3A_405 = vector.broadcast %le3A_404 : i32 to vector<16xi32>
        %le3A_406 = arith.cmpi sle, %add3A_396, %le3A_405 : vector<16xi32>
        %le3A_407 = arith.cmpf ole, %gather3A_403, %mul3A_285 : vector<16xf32>
        %and3A_408 = arith.andi %le3A_406, %le3A_407 : vector<16xi1>
        %select_n3A_409 = arith.select %and3A_408, %add3A_396, %select_n3A_393 : vector<16xi1>, vector<16xi32>
        %add3A_410 = arith.constant 16 : i32
        %add3A_411 = vector.broadcast %add3A_410 : i32 to vector<16xi32>
        %add3A_412 = arith.addi %select_n3A_409, %add3A_411 : vector<16xi32>
        %sub3A_413 = arith.constant 1 : i32
        %sub3A_414 = vector.broadcast %sub3A_413 : i32 to vector<16xi32>
        %sub3A_415 = arith.subi %add3A_412, %sub3A_414 : vector<16xi32>
        %min3A_416 = arith.constant 6255 : i32
        %min3A_417 = vector.broadcast %min3A_416 : i32 to vector<16xi32>
        %min3A_418 = arith.minsi %sub3A_415, %min3A_417 : vector<16xi32>
        %gather3A_419 = tpu.vector_load_idx %arg6[%min3A_418] : memref<6256xf32, #tpu.memory_space<vmem>>[vector<16xi32>], vector<16xf32>,
        %le3A_420 = arith.constant 6250 : i32
        %le3A_421 = vector.broadcast %le3A_420 : i32 to vector<16xi32>
        %le3A_422 = arith.cmpi sle, %add3A_412, %le3A_421 : vector<16xi32>
        %le3A_423 = arith.cmpf ole, %gather3A_419, %mul3A_285 : vector<16xf32>
        %and3A_424 = arith.andi %le3A_422, %le3A_423 : vector<16xi1>
        %select_n3A_425 = arith.select %and3A_424, %add3A_412, %select_n3A_409 : vector<16xi1>, vector<16xi32>
        %add3A_426 = arith.constant 8 : i32
        %add3A_427 = vector.broadcast %add3A_426 : i32 to vector<16xi32>
        %add3A_428 = arith.addi %select_n3A_425, %add3A_427 : vector<16xi32>
        %sub3A_429 = arith.constant 1 : i32
        %sub3A_430 = vector.broadcast %sub3A_429 : i32 to vector<16xi32>
        %sub3A_431 = arith.subi %add3A_428, %sub3A_430 : vector<16xi32>
        %min3A_432 = arith.constant 6255 : i32
        %min3A_433 = vector.broadcast %min3A_432 : i32 to vector<16xi32>
        %min3A_434 = arith.minsi %sub3A_431, %min3A_433 : vector<16xi32>
        %gather3A_435 = tpu.vector_load_idx %arg6[%min3A_434] : memref<6256xf32, #tpu.memory_space<vmem>>[vector<16xi32>], vector<16xf32>,
        %le3A_436 = arith.constant 6250 : i32
        %le3A_437 = vector.broadcast %le3A_436 : i32 to vector<16xi32>
        %le3A_438 = arith.cmpi sle, %add3A_428, %le3A_437 : vector<16xi32>
        %le3A_439 = arith.cmpf ole, %gather3A_435, %mul3A_285 : vector<16xf32>
        %and3A_440 = arith.andi %le3A_438, %le3A_439 : vector<16xi1>
        %select_n3A_441 = arith.select %and3A_440, %add3A_428, %select_n3A_425 : vector<16xi1>, vector<16xi32>
        %add3A_442 = arith.constant 4 : i32
        %add3A_443 = vector.broadcast %add3A_442 : i32 to vector<16xi32>
        %add3A_444 = arith.addi %select_n3A_441, %add3A_443 : vector<16xi32>
        %sub3A_445 = arith.constant 1 : i32
        %sub3A_446 = vector.broadcast %sub3A_445 : i32 to vector<16xi32>
        %sub3A_447 = arith.subi %add3A_444, %sub3A_446 : vector<16xi32>
        %min3A_448 = arith.constant 6255 : i32
        %min3A_449 = vector.broadcast %min3A_448 : i32 to vector<16xi32>
        %min3A_450 = arith.minsi %sub3A_447, %min3A_449 : vector<16xi32>
        %gather3A_451 = tpu.vector_load_idx %arg6[%min3A_450] : memref<6256xf32, #tpu.memory_space<vmem>>[vector<16xi32>], vector<16xf32>,
        %le3A_452 = arith.constant 6250 : i32
        %le3A_453 = vector.broadcast %le3A_452 : i32 to vector<16xi32>
        %le3A_454 = arith.cmpi sle, %add3A_444, %le3A_453 : vector<16xi32>
        %le3A_455 = arith.cmpf ole, %gather3A_451, %mul3A_285 : vector<16xf32>
        %and3A_456 = arith.andi %le3A_454, %le3A_455 : vector<16xi1>
        %select_n3A_457 = arith.select %and3A_456, %add3A_444, %select_n3A_441 : vector<16xi1>, vector<16xi32>
        %add3A_458 = arith.constant 2 : i32
        %add3A_459 = vector.broadcast %add3A_458 : i32 to vector<16xi32>
        %add3A_460 = arith.addi %select_n3A_457, %add3A_459 : vector<16xi32>
        %sub3A_461 = arith.constant 1 : i32
        %sub3A_462 = vector.broadcast %sub3A_461 : i32 to vector<16xi32>
        %sub3A_463 = arith.subi %add3A_460, %sub3A_462 : vector<16xi32>
        %min3A_464 = arith.constant 6255 : i32
        %min3A_465 = vector.broadcast %min3A_464 : i32 to vector<16xi32>
        %min3A_466 = arith.minsi %sub3A_463, %min3A_465 : vector<16xi32>
        %gather3A_467 = tpu.vector_load_idx %arg6[%min3A_466] : memref<6256xf32, #tpu.memory_space<vmem>>[vector<16xi32>], vector<16xf32>,
        %le3A_468 = arith.constant 6250 : i32
        %le3A_469 = vector.broadcast %le3A_468 : i32 to vector<16xi32>
        %le3A_470 = arith.cmpi sle, %add3A_460, %le3A_469 : vector<16xi32>
        %le3A_471 = arith.cmpf ole, %gather3A_467, %mul3A_285 : vector<16xf32>
        %and3A_472 = arith.andi %le3A_470, %le3A_471 : vector<16xi1>
        %select_n3A_473 = arith.select %and3A_472, %add3A_460, %select_n3A_457 : vector<16xi1>, vector<16xi32>
        %add3A_474 = arith.constant 1 : i32
        %add3A_475 = vector.broadcast %add3A_474 : i32 to vector<16xi32>
        %add3A_476 = arith.addi %select_n3A_473, %add3A_475 : vector<16xi32>
        %sub3A_477 = arith.constant 1 : i32
        %sub3A_478 = vector.broadcast %sub3A_477 : i32 to vector<16xi32>
        %sub3A_479 = arith.subi %add3A_476, %sub3A_478 : vector<16xi32>
        %min3A_480 = arith.constant 6255 : i32
        %min3A_481 = vector.broadcast %min3A_480 : i32 to vector<16xi32>
        %min3A_482 = arith.minsi %sub3A_479, %min3A_481 : vector<16xi32>
        %gather3A_483 = tpu.vector_load_idx %arg6[%min3A_482] : memref<6256xf32, #tpu.memory_space<vmem>>[vector<16xi32>], vector<16xf32>,
        %le3A_484 = arith.constant 6250 : i32
        %le3A_485 = vector.broadcast %le3A_484 : i32 to vector<16xi32>
        %le3A_486 = arith.cmpi sle, %add3A_476, %le3A_485 : vector<16xi32>
        %le3A_487 = arith.cmpf ole, %gather3A_483, %mul3A_285 : vector<16xf32>
        %and3A_488 = arith.andi %le3A_486, %le3A_487 : vector<16xi1>
        %select_n3A_489 = arith.select %and3A_488, %add3A_476, %select_n3A_473 : vector<16xi1>, vector<16xi32>
        %gt3A = arith.constant 0 : i32
        %gt3A_490 = vector.broadcast %gt3A : i32 to vector<16xi32>
        %gt3A_491 = arith.cmpi sgt, %select_n3A_489, %gt3A_490 : vector<16xi32>
        %sub3A_492 = arith.constant 1 : i32
        %sub3A_493 = vector.broadcast %sub3A_492 : i32 to vector<16xi32>
        %sub3A_494 = arith.subi %select_n3A_489, %sub3A_493 : vector<16xi32>
        %max3A = arith.constant 0 : i32
        %max3A_495 = vector.broadcast %max3A : i32 to vector<16xi32>
        %max3A_496 = arith.maxsi %sub3A_494, %max3A_495 : vector<16xi32>
        %gather3A_497 = tpu.vector_load_idx %arg6[%max3A_496] : memref<6256xf32, #tpu.memory_space<vmem>>[vector<16xi32>], vector<16xf32>,
        %select_n3A_498 = arith.select %gt3A_491, %gather3A_497, %broadcast_in_dim3A_4 : vector<16xi1>, vector<16xf32>
        %sub3A_499 = arith.subf %mul3A_285, %select_n3A_498 : vector<16xf32>
        %min3A_500 = arith.constant 6249 : i32
        %min3A_501 = vector.broadcast %min3A_500 : i32 to vector<16xi32>
        %min3A_502 = arith.minsi %select_n3A_489, %min3A_501 : vector<16xi32>
        %mul3A_503 = arith.constant 16 : i32
        %mul3A_504 = vector.broadcast %mul3A_503 : i32 to vector<16xi32>
        %mul3A_505 = arith.muli %min3A_502, %mul3A_504 : vector<16xi32>
        %add3A_506 = arith.constant 0 : i32
        %add3A_507 = vector.broadcast %add3A_506 : i32 to vector<16xi32>
        %add3A_508 = arith.addi %mul3A_505, %add3A_507 : vector<16xi32>
        %min3A_509 = arith.constant 99999 : i32
        %min3A_510 = vector.broadcast %min3A_509 : i32 to vector<16xi32>
        %min3A_511 = arith.minsi %add3A_508, %min3A_510 : vector<16xi32>
        %gather3A_512 = tpu.vector_load_idx %arg5[%min3A_511] : memref<100000xf32, #tpu.memory_space<vmem>>[vector<16xi32>], vector<16xf32>,
        %add3A_513 = arith.addf %broadcast_in_dim3A_4, %gather3A_512 : vector<16xf32>
        %le3A_514 = arith.cmpf ole, %add3A_513, %sub3A_499 : vector<16xf32>
        %select_n3A_515 = arith.select %le3A_514, %broadcast_in_dim3A_8, %broadcast_in_dim3A_6 : vector<16xi1>, vector<16xi32>
        %add3A_516 = arith.addi %broadcast_in_dim3A_6, %select_n3A_515 : vector<16xi32>
        %add3A_517 = arith.constant 1 : i32
        %add3A_518 = vector.broadcast %add3A_517 : i32 to vector<16xi32>
        %add3A_519 = arith.addi %mul3A_505, %add3A_518 : vector<16xi32>
        %min3A_520 = arith.constant 99999 : i32
        %min3A_521 = vector.broadcast %min3A_520 : i32 to vector<16xi32>
        %min3A_522 = arith.minsi %add3A_519, %min3A_521 : vector<16xi32>
        %gather3A_523 = tpu.vector_load_idx %arg5[%min3A_522] : memref<100000xf32, #tpu.memory_space<vmem>>[vector<16xi32>], vector<16xf32>,
        %add3A_524 = arith.addf %add3A_513, %gather3A_523 : vector<16xf32>
        %le3A_525 = arith.cmpf ole, %add3A_524, %sub3A_499 : vector<16xf32>
        %select_n3A_526 = arith.select %le3A_525, %broadcast_in_dim3A_8, %broadcast_in_dim3A_6 : vector<16xi1>, vector<16xi32>
        %add3A_527 = arith.addi %add3A_516, %select_n3A_526 : vector<16xi32>
        %add3A_528 = arith.constant 2 : i32
        %add3A_529 = vector.broadcast %add3A_528 : i32 to vector<16xi32>
        %add3A_530 = arith.addi %mul3A_505, %add3A_529 : vector<16xi32>
        %min3A_531 = arith.constant 99999 : i32
        %min3A_532 = vector.broadcast %min3A_531 : i32 to vector<16xi32>
        %min3A_533 = arith.minsi %add3A_530, %min3A_532 : vector<16xi32>
        %gather3A_534 = tpu.vector_load_idx %arg5[%min3A_533] : memref<100000xf32, #tpu.memory_space<vmem>>[vector<16xi32>], vector<16xf32>,
        %add3A_535 = arith.addf %add3A_524, %gather3A_534 : vector<16xf32>
        %le3A_536 = arith.cmpf ole, %add3A_535, %sub3A_499 : vector<16xf32>
        %select_n3A_537 = arith.select %le3A_536, %broadcast_in_dim3A_8, %broadcast_in_dim3A_6 : vector<16xi1>, vector<16xi32>
        %add3A_538 = arith.addi %add3A_527, %select_n3A_537 : vector<16xi32>
        %add3A_539 = arith.constant 3 : i32
        %add3A_540 = vector.broadcast %add3A_539 : i32 to vector<16xi32>
        %add3A_541 = arith.addi %mul3A_505, %add3A_540 : vector<16xi32>
        %min3A_542 = arith.constant 99999 : i32
        %min3A_543 = vector.broadcast %min3A_542 : i32 to vector<16xi32>
        %min3A_544 = arith.minsi %add3A_541, %min3A_543 : vector<16xi32>
        %gather3A_545 = tpu.vector_load_idx %arg5[%min3A_544] : memref<100000xf32, #tpu.memory_space<vmem>>[vector<16xi32>], vector<16xf32>,
        %add3A_546 = arith.addf %add3A_535, %gather3A_545 : vector<16xf32>
        %le3A_547 = arith.cmpf ole, %add3A_546, %sub3A_499 : vector<16xf32>
        %select_n3A_548 = arith.select %le3A_547, %broadcast_in_dim3A_8, %broadcast_in_dim3A_6 : vector<16xi1>, vector<16xi32>
        %add3A_549 = arith.addi %add3A_538, %select_n3A_548 : vector<16xi32>
        %add3A_550 = arith.constant 4 : i32
        %add3A_551 = vector.broadcast %add3A_550 : i32 to vector<16xi32>
        %add3A_552 = arith.addi %mul3A_505, %add3A_551 : vector<16xi32>
        %min3A_553 = arith.constant 99999 : i32
        %min3A_554 = vector.broadcast %min3A_553 : i32 to vector<16xi32>
        %min3A_555 = arith.minsi %add3A_552, %min3A_554 : vector<16xi32>
        %gather3A_556 = tpu.vector_load_idx %arg5[%min3A_555] : memref<100000xf32, #tpu.memory_space<vmem>>[vector<16xi32>], vector<16xf32>,
        %add3A_557 = arith.addf %add3A_546, %gather3A_556 : vector<16xf32>
        %le3A_558 = arith.cmpf ole, %add3A_557, %sub3A_499 : vector<16xf32>
        %select_n3A_559 = arith.select %le3A_558, %broadcast_in_dim3A_8, %broadcast_in_dim3A_6 : vector<16xi1>, vector<16xi32>
        %add3A_560 = arith.addi %add3A_549, %select_n3A_559 : vector<16xi32>
        %add3A_561 = arith.constant 5 : i32
        %add3A_562 = vector.broadcast %add3A_561 : i32 to vector<16xi32>
        %add3A_563 = arith.addi %mul3A_505, %add3A_562 : vector<16xi32>
        %min3A_564 = arith.constant 99999 : i32
        %min3A_565 = vector.broadcast %min3A_564 : i32 to vector<16xi32>
        %min3A_566 = arith.minsi %add3A_563, %min3A_565 : vector<16xi32>
        %gather3A_567 = tpu.vector_load_idx %arg5[%min3A_566] : memref<100000xf32, #tpu.memory_space<vmem>>[vector<16xi32>], vector<16xf32>,
        %add3A_568 = arith.addf %add3A_557, %gather3A_567 : vector<16xf32>
        %le3A_569 = arith.cmpf ole, %add3A_568, %sub3A_499 : vector<16xf32>
        %select_n3A_570 = arith.select %le3A_569, %broadcast_in_dim3A_8, %broadcast_in_dim3A_6 : vector<16xi1>, vector<16xi32>
        %add3A_571 = arith.addi %add3A_560, %select_n3A_570 : vector<16xi32>
        %add3A_572 = arith.constant 6 : i32
        %add3A_573 = vector.broadcast %add3A_572 : i32 to vector<16xi32>
        %add3A_574 = arith.addi %mul3A_505, %add3A_573 : vector<16xi32>
        %min3A_575 = arith.constant 99999 : i32
        %min3A_576 = vector.broadcast %min3A_575 : i32 to vector<16xi32>
        %min3A_577 = arith.minsi %add3A_574, %min3A_576 : vector<16xi32>
        %gather3A_578 = tpu.vector_load_idx %arg5[%min3A_577] : memref<100000xf32, #tpu.memory_space<vmem>>[vector<16xi32>], vector<16xf32>,
        %add3A_579 = arith.addf %add3A_568, %gather3A_578 : vector<16xf32>
        %le3A_580 = arith.cmpf ole, %add3A_579, %sub3A_499 : vector<16xf32>
        %select_n3A_581 = arith.select %le3A_580, %broadcast_in_dim3A_8, %broadcast_in_dim3A_6 : vector<16xi1>, vector<16xi32>
        %add3A_582 = arith.addi %add3A_571, %select_n3A_581 : vector<16xi32>
        %add3A_583 = arith.constant 7 : i32
        %add3A_584 = vector.broadcast %add3A_583 : i32 to vector<16xi32>
        %add3A_585 = arith.addi %mul3A_505, %add3A_584 : vector<16xi32>
        %min3A_586 = arith.constant 99999 : i32
        %min3A_587 = vector.broadcast %min3A_586 : i32 to vector<16xi32>
        %min3A_588 = arith.minsi %add3A_585, %min3A_587 : vector<16xi32>
        %gather3A_589 = tpu.vector_load_idx %arg5[%min3A_588] : memref<100000xf32, #tpu.memory_space<vmem>>[vector<16xi32>], vector<16xf32>,
        %add3A_590 = arith.addf %add3A_579, %gather3A_589 : vector<16xf32>
        %le3A_591 = arith.cmpf ole, %add3A_590, %sub3A_499 : vector<16xf32>
        %select_n3A_592 = arith.select %le3A_591, %broadcast_in_dim3A_8, %broadcast_in_dim3A_6 : vector<16xi1>, vector<16xi32>
        %add3A_593 = arith.addi %add3A_582, %select_n3A_592 : vector<16xi32>
        %add3A_594 = arith.constant 8 : i32
        %add3A_595 = vector.broadcast %add3A_594 : i32 to vector<16xi32>
        %add3A_596 = arith.addi %mul3A_505, %add3A_595 : vector<16xi32>
        %min3A_597 = arith.constant 99999 : i32
        %min3A_598 = vector.broadcast %min3A_597 : i32 to vector<16xi32>
        %min3A_599 = arith.minsi %add3A_596, %min3A_598 : vector<16xi32>
        %gather3A_600 = tpu.vector_load_idx %arg5[%min3A_599] : memref<100000xf32, #tpu.memory_space<vmem>>[vector<16xi32>], vector<16xf32>,
        %add3A_601 = arith.addf %add3A_590, %gather3A_600 : vector<16xf32>
        %le3A_602 = arith.cmpf ole, %add3A_601, %sub3A_499 : vector<16xf32>
        %select_n3A_603 = arith.select %le3A_602, %broadcast_in_dim3A_8, %broadcast_in_dim3A_6 : vector<16xi1>, vector<16xi32>
        %add3A_604 = arith.addi %add3A_593, %select_n3A_603 : vector<16xi32>
        %add3A_605 = arith.constant 9 : i32
        %add3A_606 = vector.broadcast %add3A_605 : i32 to vector<16xi32>
        %add3A_607 = arith.addi %mul3A_505, %add3A_606 : vector<16xi32>
        %min3A_608 = arith.constant 99999 : i32
        %min3A_609 = vector.broadcast %min3A_608 : i32 to vector<16xi32>
        %min3A_610 = arith.minsi %add3A_607, %min3A_609 : vector<16xi32>
        %gather3A_611 = tpu.vector_load_idx %arg5[%min3A_610] : memref<100000xf32, #tpu.memory_space<vmem>>[vector<16xi32>], vector<16xf32>,
        %add3A_612 = arith.addf %add3A_601, %gather3A_611 : vector<16xf32>
        %le3A_613 = arith.cmpf ole, %add3A_612, %sub3A_499 : vector<16xf32>
        %select_n3A_614 = arith.select %le3A_613, %broadcast_in_dim3A_8, %broadcast_in_dim3A_6 : vector<16xi1>, vector<16xi32>
        %add3A_615 = arith.addi %add3A_604, %select_n3A_614 : vector<16xi32>
        %add3A_616 = arith.constant 10 : i32
        %add3A_617 = vector.broadcast %add3A_616 : i32 to vector<16xi32>
        %add3A_618 = arith.addi %mul3A_505, %add3A_617 : vector<16xi32>
        %min3A_619 = arith.constant 99999 : i32
        %min3A_620 = vector.broadcast %min3A_619 : i32 to vector<16xi32>
        %min3A_621 = arith.minsi %add3A_618, %min3A_620 : vector<16xi32>
        %gather3A_622 = tpu.vector_load_idx %arg5[%min3A_621] : memref<100000xf32, #tpu.memory_space<vmem>>[vector<16xi32>], vector<16xf32>,
        %add3A_623 = arith.addf %add3A_612, %gather3A_622 : vector<16xf32>
        %le3A_624 = arith.cmpf ole, %add3A_623, %sub3A_499 : vector<16xf32>
        %select_n3A_625 = arith.select %le3A_624, %broadcast_in_dim3A_8, %broadcast_in_dim3A_6 : vector<16xi1>, vector<16xi32>
        %add3A_626 = arith.addi %add3A_615, %select_n3A_625 : vector<16xi32>
        %add3A_627 = arith.constant 11 : i32
        %add3A_628 = vector.broadcast %add3A_627 : i32 to vector<16xi32>
        %add3A_629 = arith.addi %mul3A_505, %add3A_628 : vector<16xi32>
        %min3A_630 = arith.constant 99999 : i32
        %min3A_631 = vector.broadcast %min3A_630 : i32 to vector<16xi32>
        %min3A_632 = arith.minsi %add3A_629, %min3A_631 : vector<16xi32>
        %gather3A_633 = tpu.vector_load_idx %arg5[%min3A_632] : memref<100000xf32, #tpu.memory_space<vmem>>[vector<16xi32>], vector<16xf32>,
        %add3A_634 = arith.addf %add3A_623, %gather3A_633 : vector<16xf32>
        %le3A_635 = arith.cmpf ole, %add3A_634, %sub3A_499 : vector<16xf32>
        %select_n3A_636 = arith.select %le3A_635, %broadcast_in_dim3A_8, %broadcast_in_dim3A_6 : vector<16xi1>, vector<16xi32>
        %add3A_637 = arith.addi %add3A_626, %select_n3A_636 : vector<16xi32>
        %add3A_638 = arith.constant 12 : i32
        %add3A_639 = vector.broadcast %add3A_638 : i32 to vector<16xi32>
        %add3A_640 = arith.addi %mul3A_505, %add3A_639 : vector<16xi32>
        %min3A_641 = arith.constant 99999 : i32
        %min3A_642 = vector.broadcast %min3A_641 : i32 to vector<16xi32>
        %min3A_643 = arith.minsi %add3A_640, %min3A_642 : vector<16xi32>
        %gather3A_644 = tpu.vector_load_idx %arg5[%min3A_643] : memref<100000xf32, #tpu.memory_space<vmem>>[vector<16xi32>], vector<16xf32>,
        %add3A_645 = arith.addf %add3A_634, %gather3A_644 : vector<16xf32>
        %le3A_646 = arith.cmpf ole, %add3A_645, %sub3A_499 : vector<16xf32>
        %select_n3A_647 = arith.select %le3A_646, %broadcast_in_dim3A_8, %broadcast_in_dim3A_6 : vector<16xi1>, vector<16xi32>
        %add3A_648 = arith.addi %add3A_637, %select_n3A_647 : vector<16xi32>
        %add3A_649 = arith.constant 13 : i32
        %add3A_650 = vector.broadcast %add3A_649 : i32 to vector<16xi32>
        %add3A_651 = arith.addi %mul3A_505, %add3A_650 : vector<16xi32>
        %min3A_652 = arith.constant 99999 : i32
        %min3A_653 = vector.broadcast %min3A_652 : i32 to vector<16xi32>
        %min3A_654 = arith.minsi %add3A_651, %min3A_653 : vector<16xi32>
        %gather3A_655 = tpu.vector_load_idx %arg5[%min3A_654] : memref<100000xf32, #tpu.memory_space<vmem>>[vector<16xi32>], vector<16xf32>,
        %add3A_656 = arith.addf %add3A_645, %gather3A_655 : vector<16xf32>
        %le3A_657 = arith.cmpf ole, %add3A_656, %sub3A_499 : vector<16xf32>
        %select_n3A_658 = arith.select %le3A_657, %broadcast_in_dim3A_8, %broadcast_in_dim3A_6 : vector<16xi1>, vector<16xi32>
        %add3A_659 = arith.addi %add3A_648, %select_n3A_658 : vector<16xi32>
        %add3A_660 = arith.constant 14 : i32
        %add3A_661 = vector.broadcast %add3A_660 : i32 to vector<16xi32>
        %add3A_662 = arith.addi %mul3A_505, %add3A_661 : vector<16xi32>
        %min3A_663 = arith.constant 99999 : i32
        %min3A_664 = vector.broadcast %min3A_663 : i32 to vector<16xi32>
        %min3A_665 = arith.minsi %add3A_662, %min3A_664 : vector<16xi32>
        %gather3A_666 = tpu.vector_load_idx %arg5[%min3A_665] : memref<100000xf32, #tpu.memory_space<vmem>>[vector<16xi32>], vector<16xf32>,
        %add3A_667 = arith.addf %add3A_656, %gather3A_666 : vector<16xf32>
        %le3A_668 = arith.cmpf ole, %add3A_667, %sub3A_499 : vector<16xf32>
        %select_n3A_669 = arith.select %le3A_668, %broadcast_in_dim3A_8, %broadcast_in_dim3A_6 : vector<16xi1>, vector<16xi32>
        %add3A_670 = arith.addi %add3A_659, %select_n3A_669 : vector<16xi32>
        %add3A_671 = arith.constant 15 : i32
        %add3A_672 = vector.broadcast %add3A_671 : i32 to vector<16xi32>
        %add3A_673 = arith.addi %mul3A_505, %add3A_672 : vector<16xi32>
        %min3A_674 = arith.constant 99999 : i32
        %min3A_675 = vector.broadcast %min3A_674 : i32 to vector<16xi32>
        %min3A_676 = arith.minsi %add3A_673, %min3A_675 : vector<16xi32>
        %gather3A_677 = tpu.vector_load_idx %arg5[%min3A_676] : memref<100000xf32, #tpu.memory_space<vmem>>[vector<16xi32>], vector<16xf32>,
        %add3A_678 = arith.addf %add3A_667, %gather3A_677 : vector<16xf32>
        %le3A_679 = arith.cmpf ole, %add3A_678, %sub3A_499 : vector<16xf32>
        %select_n3A_680 = arith.select %le3A_679, %broadcast_in_dim3A_8, %broadcast_in_dim3A_6 : vector<16xi1>, vector<16xi32>
        %add3A_681 = arith.addi %add3A_670, %select_n3A_680 : vector<16xi32>
        %mul3A_682 = arith.constant 16 : i32
        %mul3A_683 = vector.broadcast %mul3A_682 : i32 to vector<16xi32>
        %mul3A_684 = arith.muli %select_n3A_489, %mul3A_683 : vector<16xi32>
        %add3A_685 = arith.addi %mul3A_684, %add3A_681 : vector<16xi32>
        %max3A_686 = arith.constant 0 : i32
        %max3A_687 = vector.broadcast %max3A_686 : i32 to vector<16xi32>
        %max3A_688 = arith.maxsi %add3A_685, %max3A_687 : vector<16xi32>
        %min3A_689 = arith.constant 99999 : i32
        %min3A_690 = vector.broadcast %min3A_689 : i32 to vector<16xi32>
        %min3A_691 = arith.minsi %max3A_688, %min3A_690 : vector<16xi32>
        %get3A_692 = arith.index_cast %add3A_282 : i32 to index
        %get3A_693 = tpu.vector_load %arg7[%get3A_692] {strides = array<i32>} : memref<1024xf32, #tpu.memory_space<vmem>>, vector<16xf32>,
        %mul3A_694 = arith.mulf %get3A_693, %gather3A_265 : vector<16xf32>
        %add3A_695 = arith.constant 4096 : i32
        %add3A_696 = vector.broadcast %add3A_695 : i32 to vector<16xi32>
        %add3A_697 = arith.addi %broadcast_in_dim3A_6, %add3A_696 : vector<16xi32>
        %sub3A_698 = arith.constant 1 : i32
        %sub3A_699 = vector.broadcast %sub3A_698 : i32 to vector<16xi32>
        %sub3A_700 = arith.subi %add3A_697, %sub3A_699 : vector<16xi32>
        %min3A_701 = arith.constant 6255 : i32
        %min3A_702 = vector.broadcast %min3A_701 : i32 to vector<16xi32>
        %min3A_703 = arith.minsi %sub3A_700, %min3A_702 : vector<16xi32>
        %gather3A_704 = tpu.vector_load_idx %arg6[%min3A_703] : memref<6256xf32, #tpu.memory_space<vmem>>[vector<16xi32>], vector<16xf32>,
        %le3A_705 = arith.constant 6250 : i32
        %le3A_706 = vector.broadcast %le3A_705 : i32 to vector<16xi32>
        %le3A_707 = arith.cmpi sle, %add3A_697, %le3A_706 : vector<16xi32>
        %le3A_708 = arith.cmpf ole, %gather3A_704, %mul3A_694 : vector<16xf32>
        %and3A_709 = arith.andi %le3A_707, %le3A_708 : vector<16xi1>
        %select_n3A_710 = arith.select %and3A_709, %add3A_697, %broadcast_in_dim3A_6 : vector<16xi1>, vector<16xi32>
        %add3A_711 = arith.constant 2048 : i32
        %add3A_712 = vector.broadcast %add3A_711 : i32 to vector<16xi32>
        %add3A_713 = arith.addi %select_n3A_710, %add3A_712 : vector<16xi32>
        %sub3A_714 = arith.constant 1 : i32
        %sub3A_715 = vector.broadcast %sub3A_714 : i32 to vector<16xi32>
        %sub3A_716 = arith.subi %add3A_713, %sub3A_715 : vector<16xi32>
        %min3A_717 = arith.constant 6255 : i32
        %min3A_718 = vector.broadcast %min3A_717 : i32 to vector<16xi32>
        %min3A_719 = arith.minsi %sub3A_716, %min3A_718 : vector<16xi32>
        %gather3A_720 = tpu.vector_load_idx %arg6[%min3A_719] : memref<6256xf32, #tpu.memory_space<vmem>>[vector<16xi32>], vector<16xf32>,
        %le3A_721 = arith.constant 6250 : i32
        %le3A_722 = vector.broadcast %le3A_721 : i32 to vector<16xi32>
        %le3A_723 = arith.cmpi sle, %add3A_713, %le3A_722 : vector<16xi32>
        %le3A_724 = arith.cmpf ole, %gather3A_720, %mul3A_694 : vector<16xf32>
        %and3A_725 = arith.andi %le3A_723, %le3A_724 : vector<16xi1>
        %select_n3A_726 = arith.select %and3A_725, %add3A_713, %select_n3A_710 : vector<16xi1>, vector<16xi32>
        %add3A_727 = arith.constant 1024 : i32
        %add3A_728 = vector.broadcast %add3A_727 : i32 to vector<16xi32>
        %add3A_729 = arith.addi %select_n3A_726, %add3A_728 : vector<16xi32>
        %sub3A_730 = arith.constant 1 : i32
        %sub3A_731 = vector.broadcast %sub3A_730 : i32 to vector<16xi32>
        %sub3A_732 = arith.subi %add3A_729, %sub3A_731 : vector<16xi32>
        %min3A_733 = arith.constant 6255 : i32
        %min3A_734 = vector.broadcast %min3A_733 : i32 to vector<16xi32>
        %min3A_735 = arith.minsi %sub3A_732, %min3A_734 : vector<16xi32>
        %gather3A_736 = tpu.vector_load_idx %arg6[%min3A_735] : memref<6256xf32, #tpu.memory_space<vmem>>[vector<16xi32>], vector<16xf32>,
        %le3A_737 = arith.constant 6250 : i32
        %le3A_738 = vector.broadcast %le3A_737 : i32 to vector<16xi32>
        %le3A_739 = arith.cmpi sle, %add3A_729, %le3A_738 : vector<16xi32>
        %le3A_740 = arith.cmpf ole, %gather3A_736, %mul3A_694 : vector<16xf32>
        %and3A_741 = arith.andi %le3A_739, %le3A_740 : vector<16xi1>
        %select_n3A_742 = arith.select %and3A_741, %add3A_729, %select_n3A_726 : vector<16xi1>, vector<16xi32>
        %add3A_743 = arith.constant 512 : i32
        %add3A_744 = vector.broadcast %add3A_743 : i32 to vector<16xi32>
        %add3A_745 = arith.addi %select_n3A_742, %add3A_744 : vector<16xi32>
        %sub3A_746 = arith.constant 1 : i32
        %sub3A_747 = vector.broadcast %sub3A_746 : i32 to vector<16xi32>
        %sub3A_748 = arith.subi %add3A_745, %sub3A_747 : vector<16xi32>
        %min3A_749 = arith.constant 6255 : i32
        %min3A_750 = vector.broadcast %min3A_749 : i32 to vector<16xi32>
        %min3A_751 = arith.minsi %sub3A_748, %min3A_750 : vector<16xi32>
        %gather3A_752 = tpu.vector_load_idx %arg6[%min3A_751] : memref<6256xf32, #tpu.memory_space<vmem>>[vector<16xi32>], vector<16xf32>,
        %le3A_753 = arith.constant 6250 : i32
        %le3A_754 = vector.broadcast %le3A_753 : i32 to vector<16xi32>
        %le3A_755 = arith.cmpi sle, %add3A_745, %le3A_754 : vector<16xi32>
        %le3A_756 = arith.cmpf ole, %gather3A_752, %mul3A_694 : vector<16xf32>
        %and3A_757 = arith.andi %le3A_755, %le3A_756 : vector<16xi1>
        %select_n3A_758 = arith.select %and3A_757, %add3A_745, %select_n3A_742 : vector<16xi1>, vector<16xi32>
        %add3A_759 = arith.constant 256 : i32
        %add3A_760 = vector.broadcast %add3A_759 : i32 to vector<16xi32>
        %add3A_761 = arith.addi %select_n3A_758, %add3A_760 : vector<16xi32>
        %sub3A_762 = arith.constant 1 : i32
        %sub3A_763 = vector.broadcast %sub3A_762 : i32 to vector<16xi32>
        %sub3A_764 = arith.subi %add3A_761, %sub3A_763 : vector<16xi32>
        %min3A_765 = arith.constant 6255 : i32
        %min3A_766 = vector.broadcast %min3A_765 : i32 to vector<16xi32>
        %min3A_767 = arith.minsi %sub3A_764, %min3A_766 : vector<16xi32>
        %gather3A_768 = tpu.vector_load_idx %arg6[%min3A_767] : memref<6256xf32, #tpu.memory_space<vmem>>[vector<16xi32>], vector<16xf32>,
        %le3A_769 = arith.constant 6250 : i32
        %le3A_770 = vector.broadcast %le3A_769 : i32 to vector<16xi32>
        %le3A_771 = arith.cmpi sle, %add3A_761, %le3A_770 : vector<16xi32>
        %le3A_772 = arith.cmpf ole, %gather3A_768, %mul3A_694 : vector<16xf32>
        %and3A_773 = arith.andi %le3A_771, %le3A_772 : vector<16xi1>
        %select_n3A_774 = arith.select %and3A_773, %add3A_761, %select_n3A_758 : vector<16xi1>, vector<16xi32>
        %add3A_775 = arith.constant 128 : i32
        %add3A_776 = vector.broadcast %add3A_775 : i32 to vector<16xi32>
        %add3A_777 = arith.addi %select_n3A_774, %add3A_776 : vector<16xi32>
        %sub3A_778 = arith.constant 1 : i32
        %sub3A_779 = vector.broadcast %sub3A_778 : i32 to vector<16xi32>
        %sub3A_780 = arith.subi %add3A_777, %sub3A_779 : vector<16xi32>
        %min3A_781 = arith.constant 6255 : i32
        %min3A_782 = vector.broadcast %min3A_781 : i32 to vector<16xi32>
        %min3A_783 = arith.minsi %sub3A_780, %min3A_782 : vector<16xi32>
        %gather3A_784 = tpu.vector_load_idx %arg6[%min3A_783] : memref<6256xf32, #tpu.memory_space<vmem>>[vector<16xi32>], vector<16xf32>,
        %le3A_785 = arith.constant 6250 : i32
        %le3A_786 = vector.broadcast %le3A_785 : i32 to vector<16xi32>
        %le3A_787 = arith.cmpi sle, %add3A_777, %le3A_786 : vector<16xi32>
        %le3A_788 = arith.cmpf ole, %gather3A_784, %mul3A_694 : vector<16xf32>
        %and3A_789 = arith.andi %le3A_787, %le3A_788 : vector<16xi1>
        %select_n3A_790 = arith.select %and3A_789, %add3A_777, %select_n3A_774 : vector<16xi1>, vector<16xi32>
        %add3A_791 = arith.constant 64 : i32
        %add3A_792 = vector.broadcast %add3A_791 : i32 to vector<16xi32>
        %add3A_793 = arith.addi %select_n3A_790, %add3A_792 : vector<16xi32>
        %sub3A_794 = arith.constant 1 : i32
        %sub3A_795 = vector.broadcast %sub3A_794 : i32 to vector<16xi32>
        %sub3A_796 = arith.subi %add3A_793, %sub3A_795 : vector<16xi32>
        %min3A_797 = arith.constant 6255 : i32
        %min3A_798 = vector.broadcast %min3A_797 : i32 to vector<16xi32>
        %min3A_799 = arith.minsi %sub3A_796, %min3A_798 : vector<16xi32>
        %gather3A_800 = tpu.vector_load_idx %arg6[%min3A_799] : memref<6256xf32, #tpu.memory_space<vmem>>[vector<16xi32>], vector<16xf32>,
        %le3A_801 = arith.constant 6250 : i32
        %le3A_802 = vector.broadcast %le3A_801 : i32 to vector<16xi32>
        %le3A_803 = arith.cmpi sle, %add3A_793, %le3A_802 : vector<16xi32>
        %le3A_804 = arith.cmpf ole, %gather3A_800, %mul3A_694 : vector<16xf32>
        %and3A_805 = arith.andi %le3A_803, %le3A_804 : vector<16xi1>
        %select_n3A_806 = arith.select %and3A_805, %add3A_793, %select_n3A_790 : vector<16xi1>, vector<16xi32>
        %add3A_807 = arith.constant 32 : i32
        %add3A_808 = vector.broadcast %add3A_807 : i32 to vector<16xi32>
        %add3A_809 = arith.addi %select_n3A_806, %add3A_808 : vector<16xi32>
        %sub3A_810 = arith.constant 1 : i32
        %sub3A_811 = vector.broadcast %sub3A_810 : i32 to vector<16xi32>
        %sub3A_812 = arith.subi %add3A_809, %sub3A_811 : vector<16xi32>
        %min3A_813 = arith.constant 6255 : i32
        %min3A_814 = vector.broadcast %min3A_813 : i32 to vector<16xi32>
        %min3A_815 = arith.minsi %sub3A_812, %min3A_814 : vector<16xi32>
        %gather3A_816 = tpu.vector_load_idx %arg6[%min3A_815] : memref<6256xf32, #tpu.memory_space<vmem>>[vector<16xi32>], vector<16xf32>,
        %le3A_817 = arith.constant 6250 : i32
        %le3A_818 = vector.broadcast %le3A_817 : i32 to vector<16xi32>
        %le3A_819 = arith.cmpi sle, %add3A_809, %le3A_818 : vector<16xi32>
        %le3A_820 = arith.cmpf ole, %gather3A_816, %mul3A_694 : vector<16xf32>
        %and3A_821 = arith.andi %le3A_819, %le3A_820 : vector<16xi1>
        %select_n3A_822 = arith.select %and3A_821, %add3A_809, %select_n3A_806 : vector<16xi1>, vector<16xi32>
        %add3A_823 = arith.constant 16 : i32
        %add3A_824 = vector.broadcast %add3A_823 : i32 to vector<16xi32>
        %add3A_825 = arith.addi %select_n3A_822, %add3A_824 : vector<16xi32>
        %sub3A_826 = arith.constant 1 : i32
        %sub3A_827 = vector.broadcast %sub3A_826 : i32 to vector<16xi32>
        %sub3A_828 = arith.subi %add3A_825, %sub3A_827 : vector<16xi32>
        %min3A_829 = arith.constant 6255 : i32
        %min3A_830 = vector.broadcast %min3A_829 : i32 to vector<16xi32>
        %min3A_831 = arith.minsi %sub3A_828, %min3A_830 : vector<16xi32>
        %gather3A_832 = tpu.vector_load_idx %arg6[%min3A_831] : memref<6256xf32, #tpu.memory_space<vmem>>[vector<16xi32>], vector<16xf32>,
        %le3A_833 = arith.constant 6250 : i32
        %le3A_834 = vector.broadcast %le3A_833 : i32 to vector<16xi32>
        %le3A_835 = arith.cmpi sle, %add3A_825, %le3A_834 : vector<16xi32>
        %le3A_836 = arith.cmpf ole, %gather3A_832, %mul3A_694 : vector<16xf32>
        %and3A_837 = arith.andi %le3A_835, %le3A_836 : vector<16xi1>
        %select_n3A_838 = arith.select %and3A_837, %add3A_825, %select_n3A_822 : vector<16xi1>, vector<16xi32>
        %add3A_839 = arith.constant 8 : i32
        %add3A_840 = vector.broadcast %add3A_839 : i32 to vector<16xi32>
        %add3A_841 = arith.addi %select_n3A_838, %add3A_840 : vector<16xi32>
        %sub3A_842 = arith.constant 1 : i32
        %sub3A_843 = vector.broadcast %sub3A_842 : i32 to vector<16xi32>
        %sub3A_844 = arith.subi %add3A_841, %sub3A_843 : vector<16xi32>
        %min3A_845 = arith.constant 6255 : i32
        %min3A_846 = vector.broadcast %min3A_845 : i32 to vector<16xi32>
        %min3A_847 = arith.minsi %sub3A_844, %min3A_846 : vector<16xi32>
        %gather3A_848 = tpu.vector_load_idx %arg6[%min3A_847] : memref<6256xf32, #tpu.memory_space<vmem>>[vector<16xi32>], vector<16xf32>,
        %le3A_849 = arith.constant 6250 : i32
        %le3A_850 = vector.broadcast %le3A_849 : i32 to vector<16xi32>
        %le3A_851 = arith.cmpi sle, %add3A_841, %le3A_850 : vector<16xi32>
        %le3A_852 = arith.cmpf ole, %gather3A_848, %mul3A_694 : vector<16xf32>
        %and3A_853 = arith.andi %le3A_851, %le3A_852 : vector<16xi1>
        %select_n3A_854 = arith.select %and3A_853, %add3A_841, %select_n3A_838 : vector<16xi1>, vector<16xi32>
        %add3A_855 = arith.constant 4 : i32
        %add3A_856 = vector.broadcast %add3A_855 : i32 to vector<16xi32>
        %add3A_857 = arith.addi %select_n3A_854, %add3A_856 : vector<16xi32>
        %sub3A_858 = arith.constant 1 : i32
        %sub3A_859 = vector.broadcast %sub3A_858 : i32 to vector<16xi32>
        %sub3A_860 = arith.subi %add3A_857, %sub3A_859 : vector<16xi32>
        %min3A_861 = arith.constant 6255 : i32
        %min3A_862 = vector.broadcast %min3A_861 : i32 to vector<16xi32>
        %min3A_863 = arith.minsi %sub3A_860, %min3A_862 : vector<16xi32>
        %gather3A_864 = tpu.vector_load_idx %arg6[%min3A_863] : memref<6256xf32, #tpu.memory_space<vmem>>[vector<16xi32>], vector<16xf32>,
        %le3A_865 = arith.constant 6250 : i32
        %le3A_866 = vector.broadcast %le3A_865 : i32 to vector<16xi32>
        %le3A_867 = arith.cmpi sle, %add3A_857, %le3A_866 : vector<16xi32>
        %le3A_868 = arith.cmpf ole, %gather3A_864, %mul3A_694 : vector<16xf32>
        %and3A_869 = arith.andi %le3A_867, %le3A_868 : vector<16xi1>
        %select_n3A_870 = arith.select %and3A_869, %add3A_857, %select_n3A_854 : vector<16xi1>, vector<16xi32>
        %add3A_871 = arith.constant 2 : i32
        %add3A_872 = vector.broadcast %add3A_871 : i32 to vector<16xi32>
        %add3A_873 = arith.addi %select_n3A_870, %add3A_872 : vector<16xi32>
        %sub3A_874 = arith.constant 1 : i32
        %sub3A_875 = vector.broadcast %sub3A_874 : i32 to vector<16xi32>
        %sub3A_876 = arith.subi %add3A_873, %sub3A_875 : vector<16xi32>
        %min3A_877 = arith.constant 6255 : i32
        %min3A_878 = vector.broadcast %min3A_877 : i32 to vector<16xi32>
        %min3A_879 = arith.minsi %sub3A_876, %min3A_878 : vector<16xi32>
        %gather3A_880 = tpu.vector_load_idx %arg6[%min3A_879] : memref<6256xf32, #tpu.memory_space<vmem>>[vector<16xi32>], vector<16xf32>,
        %le3A_881 = arith.constant 6250 : i32
        %le3A_882 = vector.broadcast %le3A_881 : i32 to vector<16xi32>
        %le3A_883 = arith.cmpi sle, %add3A_873, %le3A_882 : vector<16xi32>
        %le3A_884 = arith.cmpf ole, %gather3A_880, %mul3A_694 : vector<16xf32>
        %and3A_885 = arith.andi %le3A_883, %le3A_884 : vector<16xi1>
        %select_n3A_886 = arith.select %and3A_885, %add3A_873, %select_n3A_870 : vector<16xi1>, vector<16xi32>
        %add3A_887 = arith.constant 1 : i32
        %add3A_888 = vector.broadcast %add3A_887 : i32 to vector<16xi32>
        %add3A_889 = arith.addi %select_n3A_886, %add3A_888 : vector<16xi32>
        %sub3A_890 = arith.constant 1 : i32
        %sub3A_891 = vector.broadcast %sub3A_890 : i32 to vector<16xi32>
        %sub3A_892 = arith.subi %add3A_889, %sub3A_891 : vector<16xi32>
        %min3A_893 = arith.constant 6255 : i32
        %min3A_894 = vector.broadcast %min3A_893 : i32 to vector<16xi32>
        %min3A_895 = arith.minsi %sub3A_892, %min3A_894 : vector<16xi32>
        %gather3A_896 = tpu.vector_load_idx %arg6[%min3A_895] : memref<6256xf32, #tpu.memory_space<vmem>>[vector<16xi32>], vector<16xf32>,
        %le3A_897 = arith.constant 6250 : i32
        %le3A_898 = vector.broadcast %le3A_897 : i32 to vector<16xi32>
        %le3A_899 = arith.cmpi sle, %add3A_889, %le3A_898 : vector<16xi32>
        %le3A_900 = arith.cmpf ole, %gather3A_896, %mul3A_694 : vector<16xf32>
        %and3A_901 = arith.andi %le3A_899, %le3A_900 : vector<16xi1>
        %select_n3A_902 = arith.select %and3A_901, %add3A_889, %select_n3A_886 : vector<16xi1>, vector<16xi32>
        %gt3A_903 = arith.constant 0 : i32
        %gt3A_904 = vector.broadcast %gt3A_903 : i32 to vector<16xi32>
        %gt3A_905 = arith.cmpi sgt, %select_n3A_902, %gt3A_904 : vector<16xi32>
        %sub3A_906 = arith.constant 1 : i32
        %sub3A_907 = vector.broadcast %sub3A_906 : i32 to vector<16xi32>
        %sub3A_908 = arith.subi %select_n3A_902, %sub3A_907 : vector<16xi32>
        %max3A_909 = arith.constant 0 : i32
        %max3A_910 = vector.broadcast %max3A_909 : i32 to vector<16xi32>
        %max3A_911 = arith.maxsi %sub3A_908, %max3A_910 : vector<16xi32>
        %gather3A_912 = tpu.vector_load_idx %arg6[%max3A_911] : memref<6256xf32, #tpu.memory_space<vmem>>[vector<16xi32>], vector<16xf32>,
        %select_n3A_913 = arith.select %gt3A_905, %gather3A_912, %broadcast_in_dim3A_4 : vector<16xi1>, vector<16xf32>
        %sub3A_914 = arith.subf %mul3A_694, %select_n3A_913 : vector<16xf32>
        %min3A_915 = arith.constant 6249 : i32
        %min3A_916 = vector.broadcast %min3A_915 : i32 to vector<16xi32>
        %min3A_917 = arith.minsi %select_n3A_902, %min3A_916 : vector<16xi32>
        %mul3A_918 = arith.constant 16 : i32
        %mul3A_919 = vector.broadcast %mul3A_918 : i32 to vector<16xi32>
        %mul3A_920 = arith.muli %min3A_917, %mul3A_919 : vector<16xi32>
        %add3A_921 = arith.constant 0 : i32
        %add3A_922 = vector.broadcast %add3A_921 : i32 to vector<16xi32>
        %add3A_923 = arith.addi %mul3A_920, %add3A_922 : vector<16xi32>
        %min3A_924 = arith.constant 99999 : i32
        %min3A_925 = vector.broadcast %min3A_924 : i32 to vector<16xi32>
        %min3A_926 = arith.minsi %add3A_923, %min3A_925 : vector<16xi32>
        %gather3A_927 = tpu.vector_load_idx %arg5[%min3A_926] : memref<100000xf32, #tpu.memory_space<vmem>>[vector<16xi32>], vector<16xf32>,
        %add3A_928 = arith.addf %broadcast_in_dim3A_4, %gather3A_927 : vector<16xf32>
        %le3A_929 = arith.cmpf ole, %add3A_928, %sub3A_914 : vector<16xf32>
        %select_n3A_930 = arith.select %le3A_929, %broadcast_in_dim3A_8, %broadcast_in_dim3A_6 : vector<16xi1>, vector<16xi32>
        %add3A_931 = arith.addi %broadcast_in_dim3A_6, %select_n3A_930 : vector<16xi32>
        %add3A_932 = arith.constant 1 : i32
        %add3A_933 = vector.broadcast %add3A_932 : i32 to vector<16xi32>
        %add3A_934 = arith.addi %mul3A_920, %add3A_933 : vector<16xi32>
        %min3A_935 = arith.constant 99999 : i32
        %min3A_936 = vector.broadcast %min3A_935 : i32 to vector<16xi32>
        %min3A_937 = arith.minsi %add3A_934, %min3A_936 : vector<16xi32>
        %gather3A_938 = tpu.vector_load_idx %arg5[%min3A_937] : memref<100000xf32, #tpu.memory_space<vmem>>[vector<16xi32>], vector<16xf32>,
        %add3A_939 = arith.addf %add3A_928, %gather3A_938 : vector<16xf32>
        %le3A_940 = arith.cmpf ole, %add3A_939, %sub3A_914 : vector<16xf32>
        %select_n3A_941 = arith.select %le3A_940, %broadcast_in_dim3A_8, %broadcast_in_dim3A_6 : vector<16xi1>, vector<16xi32>
        %add3A_942 = arith.addi %add3A_931, %select_n3A_941 : vector<16xi32>
        %add3A_943 = arith.constant 2 : i32
        %add3A_944 = vector.broadcast %add3A_943 : i32 to vector<16xi32>
        %add3A_945 = arith.addi %mul3A_920, %add3A_944 : vector<16xi32>
        %min3A_946 = arith.constant 99999 : i32
        %min3A_947 = vector.broadcast %min3A_946 : i32 to vector<16xi32>
        %min3A_948 = arith.minsi %add3A_945, %min3A_947 : vector<16xi32>
        %gather3A_949 = tpu.vector_load_idx %arg5[%min3A_948] : memref<100000xf32, #tpu.memory_space<vmem>>[vector<16xi32>], vector<16xf32>,
        %add3A_950 = arith.addf %add3A_939, %gather3A_949 : vector<16xf32>
        %le3A_951 = arith.cmpf ole, %add3A_950, %sub3A_914 : vector<16xf32>
        %select_n3A_952 = arith.select %le3A_951, %broadcast_in_dim3A_8, %broadcast_in_dim3A_6 : vector<16xi1>, vector<16xi32>
        %add3A_953 = arith.addi %add3A_942, %select_n3A_952 : vector<16xi32>
        %add3A_954 = arith.constant 3 : i32
        %add3A_955 = vector.broadcast %add3A_954 : i32 to vector<16xi32>
        %add3A_956 = arith.addi %mul3A_920, %add3A_955 : vector<16xi32>
        %min3A_957 = arith.constant 99999 : i32
        %min3A_958 = vector.broadcast %min3A_957 : i32 to vector<16xi32>
        %min3A_959 = arith.minsi %add3A_956, %min3A_958 : vector<16xi32>
        %gather3A_960 = tpu.vector_load_idx %arg5[%min3A_959] : memref<100000xf32, #tpu.memory_space<vmem>>[vector<16xi32>], vector<16xf32>,
        %add3A_961 = arith.addf %add3A_950, %gather3A_960 : vector<16xf32>
        %le3A_962 = arith.cmpf ole, %add3A_961, %sub3A_914 : vector<16xf32>
        %select_n3A_963 = arith.select %le3A_962, %broadcast_in_dim3A_8, %broadcast_in_dim3A_6 : vector<16xi1>, vector<16xi32>
        %add3A_964 = arith.addi %add3A_953, %select_n3A_963 : vector<16xi32>
        %add3A_965 = arith.constant 4 : i32
        %add3A_966 = vector.broadcast %add3A_965 : i32 to vector<16xi32>
        %add3A_967 = arith.addi %mul3A_920, %add3A_966 : vector<16xi32>
        %min3A_968 = arith.constant 99999 : i32
        %min3A_969 = vector.broadcast %min3A_968 : i32 to vector<16xi32>
        %min3A_970 = arith.minsi %add3A_967, %min3A_969 : vector<16xi32>
        %gather3A_971 = tpu.vector_load_idx %arg5[%min3A_970] : memref<100000xf32, #tpu.memory_space<vmem>>[vector<16xi32>], vector<16xf32>,
        %add3A_972 = arith.addf %add3A_961, %gather3A_971 : vector<16xf32>
        %le3A_973 = arith.cmpf ole, %add3A_972, %sub3A_914 : vector<16xf32>
        %select_n3A_974 = arith.select %le3A_973, %broadcast_in_dim3A_8, %broadcast_in_dim3A_6 : vector<16xi1>, vector<16xi32>
        %add3A_975 = arith.addi %add3A_964, %select_n3A_974 : vector<16xi32>
        %add3A_976 = arith.constant 5 : i32
        %add3A_977 = vector.broadcast %add3A_976 : i32 to vector<16xi32>
        %add3A_978 = arith.addi %mul3A_920, %add3A_977 : vector<16xi32>
        %min3A_979 = arith.constant 99999 : i32
        %min3A_980 = vector.broadcast %min3A_979 : i32 to vector<16xi32>
        %min3A_981 = arith.minsi %add3A_978, %min3A_980 : vector<16xi32>
        %gather3A_982 = tpu.vector_load_idx %arg5[%min3A_981] : memref<100000xf32, #tpu.memory_space<vmem>>[vector<16xi32>], vector<16xf32>,
        %add3A_983 = arith.addf %add3A_972, %gather3A_982 : vector<16xf32>
        %le3A_984 = arith.cmpf ole, %add3A_983, %sub3A_914 : vector<16xf32>
        %select_n3A_985 = arith.select %le3A_984, %broadcast_in_dim3A_8, %broadcast_in_dim3A_6 : vector<16xi1>, vector<16xi32>
        %add3A_986 = arith.addi %add3A_975, %select_n3A_985 : vector<16xi32>
        %add3A_987 = arith.constant 6 : i32
        %add3A_988 = vector.broadcast %add3A_987 : i32 to vector<16xi32>
        %add3A_989 = arith.addi %mul3A_920, %add3A_988 : vector<16xi32>
        %min3A_990 = arith.constant 99999 : i32
        %min3A_991 = vector.broadcast %min3A_990 : i32 to vector<16xi32>
        %min3A_992 = arith.minsi %add3A_989, %min3A_991 : vector<16xi32>
        %gather3A_993 = tpu.vector_load_idx %arg5[%min3A_992] : memref<100000xf32, #tpu.memory_space<vmem>>[vector<16xi32>], vector<16xf32>,
        %add3A_994 = arith.addf %add3A_983, %gather3A_993 : vector<16xf32>
        %le3A_995 = arith.cmpf ole, %add3A_994, %sub3A_914 : vector<16xf32>
        %select_n3A_996 = arith.select %le3A_995, %broadcast_in_dim3A_8, %broadcast_in_dim3A_6 : vector<16xi1>, vector<16xi32>
        %add3A_997 = arith.addi %add3A_986, %select_n3A_996 : vector<16xi32>
        %add3A_998 = arith.constant 7 : i32
        %add3A_999 = vector.broadcast %add3A_998 : i32 to vector<16xi32>
        %add3A_1000 = arith.addi %mul3A_920, %add3A_999 : vector<16xi32>
        %min3A_1001 = arith.constant 99999 : i32
        %min3A_1002 = vector.broadcast %min3A_1001 : i32 to vector<16xi32>
        %min3A_1003 = arith.minsi %add3A_1000, %min3A_1002 : vector<16xi32>
        %gather3A_1004 = tpu.vector_load_idx %arg5[%min3A_1003] : memref<100000xf32, #tpu.memory_space<vmem>>[vector<16xi32>], vector<16xf32>,
        %add3A_1005 = arith.addf %add3A_994, %gather3A_1004 : vector<16xf32>
        %le3A_1006 = arith.cmpf ole, %add3A_1005, %sub3A_914 : vector<16xf32>
        %select_n3A_1007 = arith.select %le3A_1006, %broadcast_in_dim3A_8, %broadcast_in_dim3A_6 : vector<16xi1>, vector<16xi32>
        %add3A_1008 = arith.addi %add3A_997, %select_n3A_1007 : vector<16xi32>
        %add3A_1009 = arith.constant 8 : i32
        %add3A_1010 = vector.broadcast %add3A_1009 : i32 to vector<16xi32>
        %add3A_1011 = arith.addi %mul3A_920, %add3A_1010 : vector<16xi32>
        %min3A_1012 = arith.constant 99999 : i32
        %min3A_1013 = vector.broadcast %min3A_1012 : i32 to vector<16xi32>
        %min3A_1014 = arith.minsi %add3A_1011, %min3A_1013 : vector<16xi32>
        %gather3A_1015 = tpu.vector_load_idx %arg5[%min3A_1014] : memref<100000xf32, #tpu.memory_space<vmem>>[vector<16xi32>], vector<16xf32>,
        %add3A_1016 = arith.addf %add3A_1005, %gather3A_1015 : vector<16xf32>
        %le3A_1017 = arith.cmpf ole, %add3A_1016, %sub3A_914 : vector<16xf32>
        %select_n3A_1018 = arith.select %le3A_1017, %broadcast_in_dim3A_8, %broadcast_in_dim3A_6 : vector<16xi1>, vector<16xi32>
        %add3A_1019 = arith.addi %add3A_1008, %select_n3A_1018 : vector<16xi32>
        %add3A_1020 = arith.constant 9 : i32
        %add3A_1021 = vector.broadcast %add3A_1020 : i32 to vector<16xi32>
        %add3A_1022 = arith.addi %mul3A_920, %add3A_1021 : vector<16xi32>
        %min3A_1023 = arith.constant 99999 : i32
        %min3A_1024 = vector.broadcast %min3A_1023 : i32 to vector<16xi32>
        %min3A_1025 = arith.minsi %add3A_1022, %min3A_1024 : vector<16xi32>
        %gather3A_1026 = tpu.vector_load_idx %arg5[%min3A_1025] : memref<100000xf32, #tpu.memory_space<vmem>>[vector<16xi32>], vector<16xf32>,
        %add3A_1027 = arith.addf %add3A_1016, %gather3A_1026 : vector<16xf32>
        %le3A_1028 = arith.cmpf ole, %add3A_1027, %sub3A_914 : vector<16xf32>
        %select_n3A_1029 = arith.select %le3A_1028, %broadcast_in_dim3A_8, %broadcast_in_dim3A_6 : vector<16xi1>, vector<16xi32>
        %add3A_1030 = arith.addi %add3A_1019, %select_n3A_1029 : vector<16xi32>
        %add3A_1031 = arith.constant 10 : i32
        %add3A_1032 = vector.broadcast %add3A_1031 : i32 to vector<16xi32>
        %add3A_1033 = arith.addi %mul3A_920, %add3A_1032 : vector<16xi32>
        %min3A_1034 = arith.constant 99999 : i32
        %min3A_1035 = vector.broadcast %min3A_1034 : i32 to vector<16xi32>
        %min3A_1036 = arith.minsi %add3A_1033, %min3A_1035 : vector<16xi32>
        %gather3A_1037 = tpu.vector_load_idx %arg5[%min3A_1036] : memref<100000xf32, #tpu.memory_space<vmem>>[vector<16xi32>], vector<16xf32>,
        %add3A_1038 = arith.addf %add3A_1027, %gather3A_1037 : vector<16xf32>
        %le3A_1039 = arith.cmpf ole, %add3A_1038, %sub3A_914 : vector<16xf32>
        %select_n3A_1040 = arith.select %le3A_1039, %broadcast_in_dim3A_8, %broadcast_in_dim3A_6 : vector<16xi1>, vector<16xi32>
        %add3A_1041 = arith.addi %add3A_1030, %select_n3A_1040 : vector<16xi32>
        %add3A_1042 = arith.constant 11 : i32
        %add3A_1043 = vector.broadcast %add3A_1042 : i32 to vector<16xi32>
        %add3A_1044 = arith.addi %mul3A_920, %add3A_1043 : vector<16xi32>
        %min3A_1045 = arith.constant 99999 : i32
        %min3A_1046 = vector.broadcast %min3A_1045 : i32 to vector<16xi32>
        %min3A_1047 = arith.minsi %add3A_1044, %min3A_1046 : vector<16xi32>
        %gather3A_1048 = tpu.vector_load_idx %arg5[%min3A_1047] : memref<100000xf32, #tpu.memory_space<vmem>>[vector<16xi32>], vector<16xf32>,
        %add3A_1049 = arith.addf %add3A_1038, %gather3A_1048 : vector<16xf32>
        %le3A_1050 = arith.cmpf ole, %add3A_1049, %sub3A_914 : vector<16xf32>
        %select_n3A_1051 = arith.select %le3A_1050, %broadcast_in_dim3A_8, %broadcast_in_dim3A_6 : vector<16xi1>, vector<16xi32>
        %add3A_1052 = arith.addi %add3A_1041, %select_n3A_1051 : vector<16xi32>
        %add3A_1053 = arith.constant 12 : i32
        %add3A_1054 = vector.broadcast %add3A_1053 : i32 to vector<16xi32>
        %add3A_1055 = arith.addi %mul3A_920, %add3A_1054 : vector<16xi32>
        %min3A_1056 = arith.constant 99999 : i32
        %min3A_1057 = vector.broadcast %min3A_1056 : i32 to vector<16xi32>
        %min3A_1058 = arith.minsi %add3A_1055, %min3A_1057 : vector<16xi32>
        %gather3A_1059 = tpu.vector_load_idx %arg5[%min3A_1058] : memref<100000xf32, #tpu.memory_space<vmem>>[vector<16xi32>], vector<16xf32>,
        %add3A_1060 = arith.addf %add3A_1049, %gather3A_1059 : vector<16xf32>
        %le3A_1061 = arith.cmpf ole, %add3A_1060, %sub3A_914 : vector<16xf32>
        %select_n3A_1062 = arith.select %le3A_1061, %broadcast_in_dim3A_8, %broadcast_in_dim3A_6 : vector<16xi1>, vector<16xi32>
        %add3A_1063 = arith.addi %add3A_1052, %select_n3A_1062 : vector<16xi32>
        %add3A_1064 = arith.constant 13 : i32
        %add3A_1065 = vector.broadcast %add3A_1064 : i32 to vector<16xi32>
        %add3A_1066 = arith.addi %mul3A_920, %add3A_1065 : vector<16xi32>
        %min3A_1067 = arith.constant 99999 : i32
        %min3A_1068 = vector.broadcast %min3A_1067 : i32 to vector<16xi32>
        %min3A_1069 = arith.minsi %add3A_1066, %min3A_1068 : vector<16xi32>
        %gather3A_1070 = tpu.vector_load_idx %arg5[%min3A_1069] : memref<100000xf32, #tpu.memory_space<vmem>>[vector<16xi32>], vector<16xf32>,
        %add3A_1071 = arith.addf %add3A_1060, %gather3A_1070 : vector<16xf32>
        %le3A_1072 = arith.cmpf ole, %add3A_1071, %sub3A_914 : vector<16xf32>
        %select_n3A_1073 = arith.select %le3A_1072, %broadcast_in_dim3A_8, %broadcast_in_dim3A_6 : vector<16xi1>, vector<16xi32>
        %add3A_1074 = arith.addi %add3A_1063, %select_n3A_1073 : vector<16xi32>
        %add3A_1075 = arith.constant 14 : i32
        %add3A_1076 = vector.broadcast %add3A_1075 : i32 to vector<16xi32>
        %add3A_1077 = arith.addi %mul3A_920, %add3A_1076 : vector<16xi32>
        %min3A_1078 = arith.constant 99999 : i32
        %min3A_1079 = vector.broadcast %min3A_1078 : i32 to vector<16xi32>
        %min3A_1080 = arith.minsi %add3A_1077, %min3A_1079 : vector<16xi32>
        %gather3A_1081 = tpu.vector_load_idx %arg5[%min3A_1080] : memref<100000xf32, #tpu.memory_space<vmem>>[vector<16xi32>], vector<16xf32>,
        %add3A_1082 = arith.addf %add3A_1071, %gather3A_1081 : vector<16xf32>
        %le3A_1083 = arith.cmpf ole, %add3A_1082, %sub3A_914 : vector<16xf32>
        %select_n3A_1084 = arith.select %le3A_1083, %broadcast_in_dim3A_8, %broadcast_in_dim3A_6 : vector<16xi1>, vector<16xi32>
        %add3A_1085 = arith.addi %add3A_1074, %select_n3A_1084 : vector<16xi32>
        %add3A_1086 = arith.constant 15 : i32
        %add3A_1087 = vector.broadcast %add3A_1086 : i32 to vector<16xi32>
        %add3A_1088 = arith.addi %mul3A_920, %add3A_1087 : vector<16xi32>
        %min3A_1089 = arith.constant 99999 : i32
        %min3A_1090 = vector.broadcast %min3A_1089 : i32 to vector<16xi32>
        %min3A_1091 = arith.minsi %add3A_1088, %min3A_1090 : vector<16xi32>
        %gather3A_1092 = tpu.vector_load_idx %arg5[%min3A_1091] : memref<100000xf32, #tpu.memory_space<vmem>>[vector<16xi32>], vector<16xf32>,
        %add3A_1093 = arith.addf %add3A_1082, %gather3A_1092 : vector<16xf32>
        %le3A_1094 = arith.cmpf ole, %add3A_1093, %sub3A_914 : vector<16xf32>
        %select_n3A_1095 = arith.select %le3A_1094, %broadcast_in_dim3A_8, %broadcast_in_dim3A_6 : vector<16xi1>, vector<16xi32>
        %add3A_1096 = arith.addi %add3A_1085, %select_n3A_1095 : vector<16xi32>
        %mul3A_1097 = arith.constant 16 : i32
        %mul3A_1098 = vector.broadcast %mul3A_1097 : i32 to vector<16xi32>
        %mul3A_1099 = arith.muli %select_n3A_902, %mul3A_1098 : vector<16xi32>
        %add3A_1100 = arith.addi %mul3A_1099, %add3A_1096 : vector<16xi32>
        %max3A_1101 = arith.constant 0 : i32
        %max3A_1102 = vector.broadcast %max3A_1101 : i32 to vector<16xi32>
        %max3A_1103 = arith.maxsi %add3A_1100, %max3A_1102 : vector<16xi32>
        %min3A_1104 = arith.constant 99999 : i32
        %min3A_1105 = vector.broadcast %min3A_1104 : i32 to vector<16xi32>
        %min3A_1106 = arith.minsi %max3A_1103, %min3A_1105 : vector<16xi32>
        %swap3A_1107 = arith.index_cast %add3A_280 : i32 to index
        %swap3A_1108 = tpu.vector_load %arg8[%swap3A_1107] {strides = array<i32>} : memref<1024xi32, #tpu.memory_space<vmem>>, vector<16xi32>,
        tpu.vector_store %arg8[%swap3A_1107], %min3A_691 {strides = array<i32>} : memref<1024xi32, #tpu.memory_space<vmem>>, vector<16xi32>,
        %swap3A_1109 = arith.index_cast %add3A_282 : i32 to index
        %swap3A_1110 = tpu.vector_load %arg8[%swap3A_1109] {strides = array<i32>} : memref<1024xi32, #tpu.memory_space<vmem>>, vector<16xi32>,
        tpu.vector_store %arg8[%swap3A_1109], %min3A_1106 {strides = array<i32>} : memref<1024xi32, #tpu.memory_space<vmem>>, vector<16xi32>,
        %scan3A_1111 = arith.constant 0 : i32
        scf.yield %scan3A_1111 : i32
      }
      %scan3A_272 = arith.constant 8 : i32
      %scan3A_273 = arith.constant 0 : i32
      scf.yield %scan3A_273 : i32
    }
    %scan3A_18 = arith.constant 4 : i32
    %mul3A_19 = arith.constant 4 : i32
    %mul3A_20 = arith.muli %add3A, %mul3A_19 : i32
    %mul3A_21 = arith.constant 256 : i32
    %mul3A_22 = arith.muli %mul3A_20, %mul3A_21 : i32
    "tpu.region"() ({
      %run_scoped3A = tpu.sem_alloc : memref<!tpu.dma_semaphore, #tpu.memory_space<semaphore_mem>>
      %dma_start3A = tpu.memref_slice %arg4[%mul3A_22] : memref<32768xi32, #tpu.memory_space<hbm>> -> memref<1024xi32, #tpu.memory_space<hbm>>
      %dma_start3A_23 = tpu.memref_slice %arg4[%mul3A_22] : memref<32768xi32, #tpu.memory_space<hbm>> -> memref<1024xi32, #tpu.memory_space<hbm>>
      tpu.enqueue_dma source(%arg8 : memref<1024xi32, #tpu.memory_space<vmem>>) target(%dma_start3A_23 : memref<1024xi32, #tpu.memory_space<hbm>>) target_semaphore(%run_scoped3A : memref<!tpu.dma_semaphore, #tpu.memory_space<semaphore_mem>>)
      %dma_wait3A = tpu.memref_slice %arg4[%mul3A_22] : memref<32768xi32, #tpu.memory_space<hbm>> -> memref<1024xi32, #tpu.memory_space<hbm>>
      %dma_wait3A_24 = tpu.memref_slice %arg4[%mul3A_22] : memref<32768xi32, #tpu.memory_space<hbm>> -> memref<1024xi32, #tpu.memory_space<hbm>>
      tpu.wait_dma2 semaphore(%run_scoped3A : memref<!tpu.dma_semaphore, #tpu.memory_space<semaphore_mem>>) src(%arg8 : memref<1024xi32, #tpu.memory_space<vmem>>) dst(%dma_wait3A_24 : memref<1024xi32, #tpu.memory_space<hbm>>)
      tpu.yield
    }) : () -> ()
    return
  }
}

</mosaic_0001>

<sc_bundles>
// kernel: kernel.5.cloned.1.call-start
scs
__scs_entry_jumppad:
0x0: {  	(pc) =	sbr.rel $0x88, $3  }
0x1: {  	(tag) =	ssettag $0x0;
	lr =	simm.s32 $0x1  }
0x2: {  	[smem:$0x3FA0] =	sst lr;
	_ =	strace $0xD0000000  }
0x3: {  	_ = 	snop  }
0x4: {  	_ = 	snop  }
0x5: {  	_ = 	snop  }
0x6: {  	_ = 	snop  }
0x7: {  	_ = 	snop  }
__scs_overlays_trampoline_lowered:
0x8: {  	[smem:$0x3FAF] =	sst s0  }
0x9: {  	[smem:$0x3FB0] =	sst s1  }
0xa: {  	[smem:$0x3FB1] =	sst s2  }
0xb: {  	[smem:$0x3FB2] =	sst s3  }
0xc: {  	[smem:$0x3FB3] =	sst s4  }
0xd: {  	[smem:$0x3FB4] =	sst s5  }
0xe: {  	[smem:$0x3FB5] =	sst s6  }
0xf: {  	[smem:$0x3FB6] =	sst s7  }
0x10: {  	[smem:$0x3FB7] =	sst s8  }
0x11: {  	[smem:$0x3FB8] =	sst s9;
	s0 =	simm.s32 @!p0 $0x0  }
0x12: {  	s1 =	sld [smem:$0x3F9E];
	s0 =	simm.s32 @p0 $0x1  }
0x13: {  	[smem:$0x3FB9] =	sst s0;
	s0 =	simm.s32 @!p1 $0x0  }
0x14: {  	s2 =	sld [smem:$0x3F9D];
	s0 =	simm.s32 @p1 $0x1  }
0x15: {  	[smem:$0x3FBA] =	sst s0;
	s0 =	simm.s32 @!p2 $0x0  }
0x16: {  	s3 =	sld [smem:$0x3FDB];
	s0 =	simm.s32 @p2 $0x1  }
0x17: {  	s4 =	simm.s32 $0x1BF5;
	[smem:$0x3FBC] =	sst s0  }
0x18: {  	s0 =	sld [smem:$0x3F9F];
	_ =	swait.ge [sflag:s4], $0x0  }
0x19: {  	s7 =	sld [smem:$0x3FA0]  }
0x1a: {  	s8 =	sadd.s32 $0xFFFFE003, lr  }
0x1b: {  	s9 =	sadd.s32 $0xFFFFFEF7, lr;
	s5 =	simm.s32 $0xFFFFFFFF;
	p2 =	slt.u32 s8, $0xFFFFF086  }
0x1c: {  	p1 =	slt.u32 s9, $0xF7A;
	s5 =	simm.s32 @!p2 $0x0  }
0x1d: {  	s5 =	simm.s32 @p1 $0x1;
	p0 =	seq.s32 s7, s2  }
0x1e: {  	s7 =	smul.u32 @!p0 $0xF7A, s2;
	p2 =	seq.s32 @!p0 s5, $0x0  }
0x1f: {  	s9 =	smul.u32 $0xF7A, s1;
	s8 =	simm.s32 @!p0 $0x1BF5;
	p2 =	por !p2, p0  }
0x20: {  	[sflag:s8] =	ssyncset.s32 @!p0 $0xFFFFF086;
	s6 =	sadd.s32 @!p0 s3, s7;
	s7 =	simm.s32 @!p0 $0x108  }
0x21: {  	s3 =	sadd.s32 s3, s9;
	s6 =	sadd.s32 @!p0 $0x88, s6;
	s7 =	simm.s32 @p2 $0x1082  }
0x22: {  	[simem:s7], [sflag:s8] =	dma.local @!p0 [hbm:s6], $0xF7A  }
0x23: {  	s9 =	sor.u32 $0xD0000000, s2;
	s6 =	simm.s32 $0x108;
	_ =	swait.ge @!p0 [sflag:s8], $0x0  }
0x24: {  	s3 =	sadd.s32 $0x88, s3;
	s6 =	simm.s32 @!p1 $0x1082;
	[sflag:s4] =	ssyncset.s32 $0xFFFFF086  }
0x25: {  	[simem:s6], [sflag:s4] =	dma.local [hbm:s3], $0xF7A  }
0x26: {  	[smem:$0x3FA0] =	sst s1;
	(tag) =	ssettag s2;
	_ =	strace s9  }
0x27: {  	s1 =	sld [smem:$0x3FB0]  }
0x28: {  	s2 =	sld [smem:$0x3FB1]  }
0x29: {  	s4 =	sld [smem:$0x3FB3]  }
0x2a: {  	p0 =	seq.s32 s5, $0x0;
	s5 =	sld [smem:$0x3FB4]  }
0x2b: {  	s6 =	sld [smem:$0x3FB5]  }
0x2c: {  	s7 =	sld [smem:$0x3FB6]  }
0x2d: {  	s3 =	simm.s32 $0x108;
	s8 =	sld [smem:$0x3FB7]  }
0x2e: {  	s3 =	simm.s32 @!p0 $0x1082;
	s9 =	sld [smem:$0x3FB8]  }
0x2f: {  	lr =	sadd.s32 s0, s3;
	s0 =	sld [smem:$0x3FAF]  }
0x30: {  	s3 =	sld [smem:$0x3FB2]  }
0x31: {  	[smem:$0x3FBB] =	sst s10  }
0x32: {  	s10 =	sld [smem:$0x3FB9];
	_ =	sdelay $0x3  }
0x33: {  	p0 =	seq.s32 s10, $0x1;
	s10 =	sld [smem:$0x3FBB];
	_ =	sdelay $0x3  }
0x34: {  	[smem:$0x3FBB] =	sst s10  }
0x35: {  	s10 =	sld [smem:$0x3FBA];
	_ =	sdelay $0x3  }
0x36: {  	p1 =	seq.s32 s10, $0x1;
	s10 =	sld [smem:$0x3FBB];
	_ =	sdelay $0x3  }
0x37: {  	[smem:$0x3FBB] =	sst s10  }
0x38: {  	s10 =	sld [smem:$0x3FBC]  }
0x39: {  	_ = 	snop;
	(pc) =	sbr.ind lr, $3  }
0x3a: {  	_ = 	snop  }
0x3b: {  	_ = 	snop  }
0x3c: {  	p2 =	seq.s32 s10, $0x1;
	s10 =	sld [smem:$0x3FBB]  }
0x3d: {  	_ =	shalt  }
0x3e: {  	_ =	shalt  }
0x3f: {  	_ =	shalt  }
0x40: {  	_ =	shalt  }
0x41: {  	_ =	shalt  }
0x42: {  	_ =	shalt  }
0x43: {  	_ =	shalt  }
0x44: {  	_ =	shalt  }
0x45: {  	_ =	shalt  }
0x46: {  	_ =	shalt  }
0x47: {  	_ =	shalt  }
0x48: {  	_ =	shalt  }
0x49: {  	_ =	shalt  }
0x4a: {  	_ =	shalt  }
0x4b: {  	_ =	shalt  }
0x4c: {  	_ =	shalt  }
0x4d: {  	_ =	shalt  }
0x4e: {  	_ =	shalt  }
0x4f: {  	_ =	shalt  }
0x50: {  	_ =	shalt  }
0x51: {  	_ =	shalt  }
0x52: {  	_ =	shalt  }
0x53: {  	_ =	shalt  }
0x54: {  	_ =	shalt  }
0x55: {  	_ =	shalt  }
0x56: {  	_ =	shalt  }
0x57: {  	_ =	shalt  }
0x58: {  	_ =	shalt  }
0x59: {  	_ =	shalt  }
0x5a: {  	_ =	shalt  }
0x5b: {  	_ =	shalt  }
0x5c: {  	_ =	shalt  }
0x5d: {  	_ =	shalt  }
0x5e: {  	_ =	shalt  }
0x5f: {  	_ =	shalt  }
0x60: {  	_ =	shalt  }
0x61: {  	_ =	shalt  }
0x62: {  	_ =	shalt  }
0x63: {  	_ =	shalt  }
0x64: {  	_ =	shalt  }
0x65: {  	_ =	shalt  }
0x66: {  	_ =	shalt  }
0x67: {  	_ =	shalt  }
0x68: {  	_ =	shalt  }
0x69: {  	_ =	shalt  }
0x6a: {  	_ =	shalt  }
0x6b: {  	_ =	shalt  }
0x6c: {  	_ =	shalt  }
0x6d: {  	_ =	shalt  }
0x6e: {  	_ =	shalt  }
0x6f: {  	_ =	shalt  }
0x70: {  	_ =	shalt  }
0x71: {  	_ =	shalt  }
0x72: {  	_ =	shalt  }
0x73: {  	_ =	shalt  }
0x74: {  	_ =	shalt  }
0x75: {  	_ =	shalt  }
0x76: {  	_ =	shalt  }
0x77: {  	_ =	shalt  }
0x78: {  	_ =	shalt  }
0x79: {  	_ =	shalt  }
0x7a: {  	_ =	shalt  }
0x7b: {  	_ =	shalt  }
0x7c: {  	_ =	shalt  }
0x7d: {  	_ =	shalt  }
0x7e: {  	_ =	shalt  }
0x7f: {  	_ =	shalt  }
0x80: {  	_ =	shalt  }
0x81: {  	_ =	shalt  }
0x82: {  	_ =	shalt  }
0x83: {  	_ =	shalt  }
0x84: {  	_ =	shalt  }
0x85: {  	_ =	shalt  }
0x86: {  	_ =	shalt  }
0x87: {  	_ =	shalt  }
.Lfunc_end0:
.L_simem_size_0:
called_computation_lowered:
.L_overlay_start_0:
0x88: {  	s2 =	sld [smem:$0x3FD9]  }
0x89: {  	s3 =	sld [smem:$0x3FFE];
	_ =	sdelay $0x1  }
0x8a: {  	s1 =	srdreg.scid  }
0x8b: {  	s0 =	sand.u32 $0x1, s1  }
0x8c: {  	s17 =	sshll.u32 s0, $0xA;
	s2 =	sadd.s32 s3, s2  }
0x8d: {  	s2 =	sadd.s32 s2, s17  }
0x8e: {  	[smem:$0x3FC7] =	sst s2  }
0x8f: {  	_ = 	snop  }
0x90: {  	s2 =	sld [smem:$0x3FD0];
	(tm) =	ssettm $0x1  }
0x91: {  	s18 =	sld [smem:$0x3FFB];
	_ =	sdelay $0x3  }
0x92: {  	_ =	strace s18  }
0x93: {  	s3 =	sld [smem:$0x3FFC];
	_ =	sdelay $0x3  }
0x94: {  	_ =	strace s3  }
0x95: {  	s3 =	sld [smem:$0x3FFD];
	_ =	sdelay $0x3  }
0x96: {  	_ =	strace s3  }
0x97: {  	_ =	strace $0x8FFFFFFF  }
0x98: {  	s19 =	sld [smem:$0x3FDB];
	_ =	sdelay $0x1  }
0x99: {  	s4 =	simm.s32 $_scs_section_size  }
0x9a: {  	s5 =	simm.s32 $_size__tile_overlayer_lowered;
	s6 =	simm.s32 $_tile_overlayer_lowered  }
0x9b: {  	s22 =	simm.s32 $0x1BFF;
	s21 =	sshll.u32 s6, $0x1;
	s3 =	sadd.s32 s4, s19  }
0x9c: {  	s7 =	simm.s32 $0x0;
	s20 =	sshll.u32 s5, $0x1;
	s5 =	sadd.s32 s21, s3  }
0x9d: {  	[timem:s7], [sflag:s22] =	dma.local [hbm:s5], s20  }
0x9e: {  	_ =	swait.ge [sflag:s22], s20  }
0x9f: {  	s4 =	ssub.s32 $0x0, s20;
	[sflag:s22] =	ssyncset.done $0x0  }
0xa0: {  	[sflag:s22] =	ssyncadd.s32 s4;
	_ =	sdelay $0x1  }
0xa1: {  	s23 =	simm.s32 $0x1B8B  }
0xa2: {  	_ =	swait.ge [sflag:s23], $0x1  }
0xa3: {  	[sflag:s23] =	ssyncset.done $0x0  }
0xa4: {  	s25 =	simm.s32 $0x1B8E;
	s24 =	sld [smem:$0x3FFE];
	[sflag:s23] =	ssyncadd.s32 $0xFFFFFFFF  }
0xa5: {  	s26 =	simm.s32 $execute0_lowered;
	[smem:$0x3FD2] =	sst s25  }
0xa6: {  	s5 =	sshll.u32 s26, $0x1;
	_ =	strace $0x80000046;
	[dreg:$0x1] =	wrdreg $0xFFFFFFFF  }
0xa7: {  	s28 =	simm.s32 $_size_execute0_lowered;
	s3 =	sadd.s32 s3, s5;
	[dreg:$0x0] =	wrdreg $0x0  }
0xa8: {  	s5 =	sshll.u32 s28, $0x1;
	[dreg:$0x2] =	wrdreg s3  }
0xa9: {  	[dreg:$0x3] =	wrdreg s5  }
0xaa: {  	[dreg:$0x4] =	wrdreg $0xC0  }
0xab: {  	_ =	task [dreg:s7], $0x5FFFF  }
0xac: {  	[dreg:$0x1] =	wrdreg $0xFFFFFFFF  }
0xad: {  	[dreg:$0x0] =	wrdreg $0x60  }
0xae: {  	[dreg:$0x2] =	wrdreg s24  }
0xaf: {  	[dreg:$0x3] =	wrdreg s2  }
0xb0: {  	[dreg:$0x4] =	wrdreg $0x9  }
0xb1: {  	_ =	task.clear_ibuf [dreg:s7], $0x5FFFF;
	_ =	strace $0x90000046  }
0xb2: {  	s29 =	simm.s32 $0x9;
	_ =	strace $0x80000048  }
0xb3: {  	_ =	swait.ge [sflag:s29], $0x1  }
0xb4: {  	[sflag:s29] =	ssyncadd.s32 $0xFFFFFFFF  }
0xb5: {  	_ =	strace $0x90000048  }
0xb6: {  	_ =	sfence  }
0xb7: {  	s30 =	sld [smem:$0x0];
	_ =	sdelay $0x2  }
0xb8: {  	s31 =	sshll.u32 s1, $0xD;
	s1 =	sshrl.u32 s1, $0x2  }
0xb9: {  	s3 =	sand.u32 $0x4000, s31;
	s1 =	sadd.s32 s1, s30  }
0xba: {  	s0 =	sor.u32 s3, s0;
	s1 =	sshll.u32 s1, $0x11  }
0xbb: {  	s0 =	sor.u32 s1, s0  }
0xbc: {  	s0 =	sadd.s32 $0x8F2B, s0  }
0xbd: {  	[sflag:s0] =	ssyncadd.remote.s32 $0x1  }
0xbe: {  	_ =	sfence.sel $0xFFFF  }
0xbf: {  	[dreg:$0x0] =	wrdreg $0xFFFFFFFF;
	(pc) =	sbr.abs _section_cstart, $3  }
0xc0: {  	[dreg:$0x1] =	wrdreg $0xFFFFFFFF  }
0xc1: {  	_ =	task.clear_ibuf [dreg:s7], $0x2FFFF;
	_ =	strace $0x9FFFFFFF  }
0xc2: {  	(tm) =	ssettm $0x7FFFFFFF  }
0xc3: {  	_ =	shalt  }
tec
execute0_lowered:
.L_overlay_start_1:
0x0: {  	(tag) =	ssettag $0x1  }
0x1: {  	s4 =	rddreg [dreg:$0x0]  }
0x2: {  	s5 =	rddreg [dreg:$0x1]  }
0x3: {  	s1 =	srdreg.scid;
	s0 =	rddreg [dreg:$0x2];
	s2 =	simm.s32 $0x0  }
0x4: {  	s11 =	simm.s32 $0x18600;
	s12 =	simm.s32 $0x1;
	s13 =	simm.s32 $0x186A0  }
0x5: {  	s14 =	simm.s32 $0x2;
	s15 =	simm.s32 $0x1A710;
	s16 =	simm.s32 $0x3  }
0x6: {  	v1 =	vlaneseq.u32;
	s17 =	simm.s32 $0x1A310;
	s18 =	simm.s32 $0x0;
	s3 =	sand.u32 $0x1, s1  }
0x7: {  	v4 =	vimm.s32 $0xF;
	v5 =	vimm.s32 $0x1860;
	v6 =	vimm.s32 $0x1861;
	s1 =	stileid.u32;
	[smem:$0x7FF] =	sst s2;
	s6 =	sshll.u32 s3, $0x4  }
0x8: {  	v7 =	vimm.s32 $0x1862;
	v8 =	vimm.s32 $0x1863;
	v9 =	vimm.s32 $0x1864;
	s7 =	ssub.s32 $0x2, s3;
	_ =	strace $0x80000047;
	s6 =	sor.u32 s1, s6  }
0x9: {  	v10 =	vimm.s32 $0x1865;
	v11 =	vimm.s32 $0x1866;
	v12 =	vimm.s32 $0x1867;
	s3 =	sadd.s32 $0x187400, s4;
	s9 =	sshrl.u32 s7, $0x1;
	s8 =	sshll.u32 s6, $0x7  }
0xa: {  	v13 =	vimm.s32 $0x1868;
	v0 =	vmul.u32 $0xC30, v1;
	v1 =	vmul.u32 $0xC3, v1;
	s7 =	ssub.s32 s7, s9;
	s9 =	simm.s32 $0x4;
	s10 =	sadd.s32 s8, s4  }
0xb: {  	v14 =	vimm.s32 $0x1869;
	v15 =	vimm.s32 $0xFFF;
	v16 =	vimm.s32 $0x0;
	s4 =	sadd.s32 s5, s8;
	s5 =	sshll.u32 s6, $0x2;
	s7 =	smax.u32 s7, $0x1  }
0xc: {  	v17 =	vimm.s32 $0x1;
	v2 =	vadd.s32 $0xC300, v0;
	v3 =	vadd.s32 $0xC30, v1;
	s8 =	simm.s32 $0x19F10;
	s6 =	sadd.s32 $0x400, s10;
	s10 =	simm.s32 $0xC300  }
.LBB2_1:
0xd: {  	[tilespmem:s8], [sflag:$0x4] =	stream.linear.gather [hbm4b:s4+s2], $0x400, $0x38;
	[tilespmem:$0x1A720] =	vst v63  }
0xe: {  	_ =	swait.ge [sflag:s9], $0x400  }
0xf: {  	s19 =	simm.s32 $0x19F90;
	[sflag:s9] =	ssyncset.done $0x0  }
0x10: {  	s20 =	simm.s32 $0x1A390;
	s21 =	simm.s32 $0x0;
	[sflag:s9] =	ssyncadd.s32 $0xFFFFFC00  }
.LBB2_2:
0x11: {  	s22 =	sadd.s32 s5, s21  }
0x12: {  	s22 =	smul.u32 $0x186A0, s22;
	_ =	sdelay $0x1  }
0x13: {  	s22 =	sshrl.u32 s22, $0x3  }
0x14: {  	s22 =	sadd.s32 s3, s22  }
0x15: {  	[tilespmem:s2], [sflag:$0x1] =	stream.linear.gather [hbm4b:s22+s2], $0xC300, $0x38;
	[tilespmem:$0x1A720] =	vst v63  }
0x16: {  	s23 =	sadd.s32 $0x1860, s22  }
0x17: {  	[tilespmem:s10], [sflag:$0x2] =	stream.linear.gather [hbm4b:s23+s2], $0xC300, $0x38;
	[tilespmem:$0x1A720] =	vst v63  }
0x18: {  	s22 =	sadd.s32 $0x30C0, s22  }
0x19: {  	v18 =	vor.u32 $0x1, v0;
	[tilespmem:s11], [sflag:$0x3] =	stream.linear.gather [hbm4b:s22+s2], $0xA0, $0x38;
	[tilespmem:$0x1A720] =	vst v63  }
0x1a: {  	v19 =	vor.u32 $0x2, v0;
	_ =	swait.ge [sflag:s12], $0xC300  }
0x1b: {  	v20 =	vor.u32 $0x3, v0;
	[sflag:s12] =	ssyncset.done $0x0  }
0x1c: {  	v21 =	vor.u32 $0x4, v0;
	[sflag:s12] =	ssyncadd.s32 $0xFFFF3D00  }
0x1d: {  	v23 =	vor.u32 $0x5, v0;
	v22 =	vld.idx.msk [tilespmem:v0+s2+$0x0], $0xffff  }
0x1e: {  	v24 =	vld.idx.msk [tilespmem:v18+s2+$0x0], $0xffff;
	v18 =	vor.u32 $0x6, v0  }
0x1f: {  	v25 =	vor.u32 $0x8, v0;
	v26 =	vld.idx.msk [tilespmem:v19+s2+$0x0], $0xffff  }
0x20: {  	v19 =	vor.u32 $0x7, v0;
	v20 =	vld.idx.msk [tilespmem:v20+s2+$0x0], $0xffff  }
0x21: {  	v27 =	vor.u32 $0xA, v0;
	v28 =	vld.idx.msk [tilespmem:v21+s2+$0x0], $0xffff  }
0x22: {  	v21 =	vor.u32 $0x9, v0;
	v23 =	vld.idx.msk [tilespmem:v23+s2+$0x0], $0xffff  }
0x23: {  	v29 =	vld.idx.msk [tilespmem:v18+s2+$0x0], $0xffff;
	v18 =	vor.u32 $0xB, v0  }
0x24: {  	v31 =	vld.idx.msk [tilespmem:v25+s2+$0x0], $0xffff;
	v25 =	vor.u32 $0xD, v0  }
0x25: {  	v30 =	vld.idx.msk [tilespmem:v19+s2+$0x0], $0xffff;
	v19 =	vor.u32 $0xC, v0  }
0x26: {  	v33 =	vld.idx.msk [tilespmem:v27+s2+$0x0], $0xffff;
	v27 =	vor.u32 $0xF, v0  }
0x27: {  	v32 =	vld.idx.msk [tilespmem:v21+s2+$0x0], $0xffff;
	v21 =	vor.u32 $0xE, v0  }
0x28: {  	v34 =	vld.idx.msk [tilespmem:v18+s2+$0x0], $0xffff;
	v18 =	vadd.s32 $0x10, v0  }
0x29: {  	v37 =	vld.idx.msk [tilespmem:v25+s2+$0x0], $0xffff;
	v35 =	vor.u32 $0x1, v18  }
0x2a: {  	v36 =	vld.idx.msk [tilespmem:v19+s2+$0x0], $0xffff;
	v19 =	vor.u32 $0x2, v18  }
0x2b: {  	v41 =	vld.idx.msk [tilespmem:v27+s2+$0x0], $0xffff;
	v38 =	vor.u32 $0x3, v18  }
0x2c: {  	v39 =	vld.idx.msk [tilespmem:v21+s2+$0x0], $0xffff;
	v40 =	vor.u32 $0x4, v18  }
0x2d: {  	v42 =	vor.u32 $0x5, v18;
	v25 =	vld.idx.msk [tilespmem:v18+s2+$0x0], $0xffff  }
0x2e: {  	v58 =	vor.u32 $0x6, v18;
	v27 =	vld.idx.msk [tilespmem:v35+s2+$0x0], $0xffff  }
0x2f: {  	v44 =	vadd.f32 v24, v22;
	v45 =	vadd.f32 v20, v26;
	v43 =	vor.u32 $0x7, v18;
	v19 =	vld.idx.msk [tilespmem:v19+s2+$0x0], $0xffff  }
0x30: {  	v23 =	vadd.f32 v23, v28;
	v28 =	vadd.f32 v30, v29;
	v30 =	vor.u32 $0x9, v18;
	v21 =	vld.idx.msk [tilespmem:v38+s2+$0x0], $0xffff  }
0x31: {  	v29 =	vadd.f32 v32, v31;
	v59 =	vor.u32 $0x8, v18;
	v31 =	vadd.f32 v34, v33;
	v22 =	vld.idx.msk [tilespmem:v40+s2+$0x0], $0xffff  }
0x32: {  	v60 =	vor.u32 $0xA, v18;
	v61 =	vadd.f32 v37, v36;
	v62 =	vadd.f32 v41, v39;
	v24 =	vld.idx.msk [tilespmem:v42+s2+$0x0], $0xffff  }
0x33: {  	v63 =	vadd.f32 v45, v44;
	v32 =	vor.u32 $0xB, v18;
	v23 =	vadd.f32 v28, v23;
	v26 =	vld.idx.msk [tilespmem:v58+s2+$0x0], $0xffff  }
0x34: {  	v33 =	vor.u32 $0xC, v18;
	v28 =	vld.idx.msk [tilespmem:v43+s2+$0x0], $0xffff;
	v31 =	vadd.f32 v31, v29;
	v39 =	vadd.f32 v62, v61  }
0x35: {  	v36 =	vor.u32 $0xD, v18;
	v30 =	vld.idx.msk [tilespmem:v30+s2+$0x0], $0xffff  }
0x36: {  	v37 =	vor.u32 $0xE, v18;
	v34 =	vadd.f32 v23, v63;
	v29 =	vld.idx.msk [tilespmem:v59+s2+$0x0], $0xffff;
	v35 =	vadd.f32 v39, v31  }
0x37: {  	s22 =	simm.s32 $0xC1;
	v20 =	vimm.f32 $0.0e+00;
	v38 =	vor.u32 $0xF, v18;
	v23 =	vmov v1;
	v31 =	vld.idx.msk [tilespmem:v60+s2+$0x0], $0xffff  }
.LBB2_3:
0x38: {  	p0 =	sne.s32 s22, $0x1;
	v32 =	vld.idx.msk [tilespmem:v32+s2+$0x0], $0xffff;
	v18 =	vadd.s32 $0x10, v18;
	v34 =	vadd.f32 v35, v34  }
0x39: {  	v35 =	vor.u32 $0x1, v18;
	v33 =	vld.idx.msk [tilespmem:v33+s2+$0x0], $0xffff  }
0x3a: {  	v39 =	vor.u32 $0x2, v18;
	v36 =	vld.idx.msk [tilespmem:v36+s2+$0x0], $0xffff;
	v20 =	vadd.f32 v34, v20  }
0x3b: {  	v34 =	vor.u32 $0x3, v18;
	v37 =	vld.idx.msk [tilespmem:v37+s2+$0x0], $0xffff  }
0x3c: {  	v40 =	vor.u32 $0x4, v18;
	v38 =	vld.idx.msk [tilespmem:v38+s2+$0x0], $0xffff;
	[tilespmem:v23+s13+$0x0] =	vst.idx.msk $0xffff, v20  }
0x3d: {  	v42 =	vor.u32 $0x5, v18;
	v41 =	vld.idx.msk [tilespmem:v18+s2+$0x0], $0xffff  }
0x3e: {  	v43 =	vor.u32 $0x6, v18;
	v35 =	vld.idx.msk [tilespmem:v35+s2+$0x0], $0xffff  }
0x3f: {  	v25 =	vadd.f32 v27, v25;
	v27 =	vadd.f32 v21, v19;
	v44 =	vor.u32 $0x7, v18;
	v19 =	vld.idx.msk [tilespmem:v39+s2+$0x0], $0xffff  }
0x40: {  	v28 =	vadd.f32 v28, v26;
	v39 =	vadd.f32 v24, v22;
	v21 =	vld.idx.msk [tilespmem:v34+s2+$0x0], $0xffff;
	v34 =	vor.u32 $0x8, v18  }
0x41: {  	v29 =	vadd.f32 v30, v29;
	v30 =	vadd.f32 v32, v31;
	v22 =	vld.idx.msk [tilespmem:v40+s2+$0x0], $0xffff;
	v40 =	vor.u32 $0x9, v18  }
0x42: {  	v31 =	vor.u32 $0xA, v18;
	v36 =	vadd.f32 v36, v33;
	v37 =	vadd.f32 v38, v37;
	v24 =	vld.idx.msk [tilespmem:v42+s2+$0x0], $0xffff  }
.Ltmp0:
0x43: {  	v32 =	vor.u32 $0xB, v18;
	v38 =	vadd.f32 v27, v25;
	v39 =	vadd.f32 v28, v39;
	v25 =	vmovc v41;
	v26 =	vld.idx.msk [tilespmem:v43+s2+$0x0], $0xffff;
	(pc) =	sbr.rel @p0 .LBB2_3-.Ltmp0, $4  }
0x44: {  	v33 =	vor.u32 $0xC, v18;
	v41 =	vadd.f32 v30, v29;
	v42 =	vadd.f32 v37, v36;
	v27 =	vmovc v35;
	v28 =	vld.idx.msk [tilespmem:v44+s2+$0x0], $0xffff  }
0x45: {  	v36 =	vor.u32 $0xD, v18;
	v29 =	vld.idx.msk [tilespmem:v34+s2+$0x0], $0xffff  }
0x46: {  	v37 =	vor.u32 $0xE, v18;
	v34 =	vadd.f32 v39, v38;
	v35 =	vadd.f32 v42, v41;
	v30 =	vld.idx.msk [tilespmem:v40+s2+$0x0], $0xffff  }
0x47: {  	s22 =	sadd.s32 $0xFFFFFFFF, s22;
	v23 =	vadd.s32 $0x1, v23;
	v38 =	vor.u32 $0xF, v18;
	v31 =	vld.idx.msk [tilespmem:v31+s2+$0x0], $0xffff  }
0x48: {  	_ =	sdelay $0x3  }
0x49: {  	v18 =	vld.idx.msk [tilespmem:v32+s2+$0x0], $0xffff  }
0x4a: {  	v46 =	vld.idx.msk [tilespmem:v33+s2+$0x0], $0xffff  }
0x4b: {  	v47 =	vld.idx.msk [tilespmem:v36+s2+$0x0], $0xffff  }
0x4c: {  	v48 =	vld.idx.msk [tilespmem:v37+s2+$0x0], $0xffff  }
0x4d: {  	v49 =	vld.idx.msk [tilespmem:v38+s2+$0x0], $0xffff;
	_ =	sdelay $0x1  }
0x4e: {  	v25 =	vadd.f32 v27, v25;
	v19 =	vadd.f32 v21, v19  }
0x4f: {  	v21 =	vadd.f32 v24, v22;
	v22 =	vadd.f32 v28, v26  }
0x50: {  	v24 =	vadd.f32 v30, v29;
	v18 =	vadd.f32 v18, v31  }
0x51: {  	v26 =	vadd.f32 v47, v46;
	v27 =	vadd.f32 v49, v48  }
0x52: {  	v19 =	vadd.f32 v19, v25;
	v21 =	vadd.f32 v22, v21  }
0x53: {  	v18 =	vadd.f32 v18, v24;
	v22 =	vadd.f32 v27, v26  }
0x54: {  	v19 =	vadd.f32 v21, v19  }
0x55: {  	v24 =	vadd.f32 v35, v34;
	v18 =	vadd.f32 v22, v18  }
0x56: {  	v21 =	vadd.s32 $0x1, v23  }
0x57: {  	v20 =	vadd.f32 v24, v20;
	v18 =	vadd.f32 v18, v19;
	_ =	sdelay $0x1  }
0x58: {  	v18 =	vadd.f32 v18, v20  }
0x59: {  	[tilespmem:v23+s13+$0x0] =	vst.idx.msk $0xffff, v20  }
0x5a: {  	v19 =	vor.u32 $0x1, v2;
	[tilespmem:v21+s13+$0x0] =	vst.idx.msk $0xffff, v18  }
0x5b: {  	v20 =	vor.u32 $0x2, v2;
	_ =	swait.ge [sflag:s14], $0xC300  }
0x5c: {  	v22 =	vor.u32 $0x4, v2;
	[sflag:s14] =	ssyncset.done $0x0  }
0x5d: {  	v24 =	vor.u32 $0x5, v2;
	[sflag:s14] =	ssyncadd.s32 $0xFFFF3D00  }
0x5e: {  	v26 =	vor.u32 $0x8, v2;
	v23 =	vld.idx.msk [tilespmem:v2+s2+$0x0], $0xffff  }
0x5f: {  	v25 =	vld.idx.msk [tilespmem:v19+s2+$0x0], $0xffff;
	v19 =	vor.u32 $0x6, v2  }
0x60: {  	v28 =	vor.u32 $0xA, v2;
	v27 =	vld.idx.msk [tilespmem:v20+s2+$0x0], $0xffff  }
0x61: {  	v20 =	vor.u32 $0x7, v2;
	v29 =	vld.idx.msk [tilespmem:v22+s2+$0x0], $0xffff  }
0x62: {  	v21 =	vor.u32 $0x3, v2;
	v24 =	vld.idx.msk [tilespmem:v24+s2+$0x0], $0xffff  }
0x63: {  	v22 =	vor.u32 $0x9, v2;
	v50 =	vld.idx.msk [tilespmem:v26+s2+$0x0], $0xffff  }
0x64: {  	v30 =	vld.idx.msk [tilespmem:v19+s2+$0x0], $0xffff;
	v19 =	vor.u32 $0xB, v2  }
0x65: {  	v26 =	vor.u32 $0xD, v2;
	v52 =	vld.idx.msk [tilespmem:v28+s2+$0x0], $0xffff  }
0x66: {  	v31 =	vld.idx.msk [tilespmem:v20+s2+$0x0], $0xffff;
	v20 =	vor.u32 $0xC, v2  }
0x67: {  	v28 =	vor.u32 $0xF, v2;
	v21 =	vld.idx.msk [tilespmem:v21+s2+$0x0], $0xffff  }
0x68: {  	v51 =	vld.idx.msk [tilespmem:v22+s2+$0x0], $0xffff;
	v22 =	vor.u32 $0xE, v2  }
0x69: {  	v53 =	vld.idx.msk [tilespmem:v19+s2+$0x0], $0xffff;
	v19 =	vadd.s32 $0x10, v2  }
0x6a: {  	v56 =	vld.idx.msk [tilespmem:v26+s2+$0x0], $0xffff;
	v54 =	vor.u32 $0x1, v19  }
0x6b: {  	v55 =	vld.idx.msk [tilespmem:v20+s2+$0x0], $0xffff;
	v20 =	vor.u32 $0x2, v19  }
0x6c: {  	v42 =	vld.idx.msk [tilespmem:v28+s2+$0x0], $0xffff;
	v39 =	vor.u32 $0x3, v19  }
0x6d: {  	v40 =	vld.idx.msk [tilespmem:v22+s2+$0x0], $0xffff;
	v41 =	vor.u32 $0x4, v19  }
0x6e: {  	v43 =	vor.u32 $0x5, v19;
	v26 =	vld.idx.msk [tilespmem:v19+s2+$0x0], $0xffff  }
0x6f: {  	v57 =	vor.u32 $0x6, v19;
	v28 =	vld.idx.msk [tilespmem:v54+s2+$0x0], $0xffff  }
0x70: {  	v45 =	vadd.f32 v25, v23;
	v24 =	vadd.f32 v24, v29;
	v44 =	vor.u32 $0x7, v19;
	v20 =	vld.idx.msk [tilespmem:v20+s2+$0x0], $0xffff  }
0x71: {  	v46 =	vadd.f32 v21, v27;
	v29 =	vadd.f32 v31, v30;
	v31 =	vor.u32 $0x9, v19;
	v22 =	vld.idx.msk [tilespmem:v39+s2+$0x0], $0xffff  }
0x72: {  	v30 =	vadd.f32 v51, v50;
	v58 =	vor.u32 $0x8, v19;
	v59 =	vadd.f32 v53, v52;
	v23 =	vld.idx.msk [tilespmem:v41+s2+$0x0], $0xffff  }
0x73: {  	v60 =	vor.u32 $0xA, v19;
	v61 =	vadd.f32 v56, v55;
	v62 =	vadd.f32 v42, v40;
	v25 =	vld.idx.msk [tilespmem:v43+s2+$0x0], $0xffff  }
0x74: {  	v63 =	vadd.f32 v46, v45;
	v33 =	vor.u32 $0xB, v19;
	v24 =	vadd.f32 v29, v24;
	v27 =	vld.idx.msk [tilespmem:v57+s2+$0x0], $0xffff  }
0x75: {  	v34 =	vor.u32 $0xC, v19;
	v29 =	vld.idx.msk [tilespmem:v44+s2+$0x0], $0xffff;
	v32 =	vadd.f32 v59, v30;
	v40 =	vadd.f32 v62, v61  }
0x76: {  	v37 =	vor.u32 $0xD, v19;
	v31 =	vld.idx.msk [tilespmem:v31+s2+$0x0], $0xffff  }
0x77: {  	v38 =	vor.u32 $0xE, v19;
	v35 =	vadd.f32 v24, v63;
	v30 =	vld.idx.msk [tilespmem:v58+s2+$0x0], $0xffff;
	v36 =	vadd.f32 v40, v32  }
0x78: {  	s22 =	simm.s32 $0xC1;
	v21 =	vimm.f32 $0.0e+00;
	v39 =	vor.u32 $0xF, v19;
	v24 =	vmov v3;
	v32 =	vld.idx.msk [tilespmem:v60+s2+$0x0], $0xffff  }
.LBB2_5:
0x79: {  	p0 =	sne.s32 s22, $0x1;
	v33 =	vld.idx.msk [tilespmem:v33+s2+$0x0], $0xffff;
	v19 =	vadd.s32 $0x10, v19;
	v35 =	vadd.f32 v36, v35  }
0x7a: {  	v36 =	vor.u32 $0x1, v19;
	v34 =	vld.idx.msk [tilespmem:v34+s2+$0x0], $0xffff  }
0x7b: {  	v40 =	vor.u32 $0x2, v19;
	v37 =	vld.idx.msk [tilespmem:v37+s2+$0x0], $0xffff;
	v21 =	vadd.f32 v35, v21  }
0x7c: {  	v35 =	vor.u32 $0x3, v19;
	v38 =	vld.idx.msk [tilespmem:v38+s2+$0x0], $0xffff  }
0x7d: {  	v41 =	vor.u32 $0x4, v19;
	v39 =	vld.idx.msk [tilespmem:v39+s2+$0x0], $0xffff;
	[tilespmem:v24+s13+$0x0] =	vst.idx.msk $0xffff, v21  }
0x7e: {  	v43 =	vor.u32 $0x5, v19;
	v42 =	vld.idx.msk [tilespmem:v19+s2+$0x0], $0xffff  }
0x7f: {  	v44 =	vor.u32 $0x6, v19;
	v36 =	vld.idx.msk [tilespmem:v36+s2+$0x0], $0xffff  }
0x80: {  	v26 =	vadd.f32 v28, v26;
	v28 =	vadd.f32 v22, v20;
	v45 =	vor.u32 $0x7, v19;
	v20 =	vld.idx.msk [tilespmem:v40+s2+$0x0], $0xffff  }
0x81: {  	v29 =	vadd.f32 v29, v27;
	v40 =	vadd.f32 v25, v23;
	v22 =	vld.idx.msk [tilespmem:v35+s2+$0x0], $0xffff;
	v35 =	vor.u32 $0x8, v19  }
0x82: {  	v30 =	vadd.f32 v31, v30;
	v31 =	vadd.f32 v33, v32;
	v23 =	vld.idx.msk [tilespmem:v41+s2+$0x0], $0xffff;
	v41 =	vor.u32 $0x9, v19  }
0x83: {  	v32 =	vor.u32 $0xA, v19;
	v37 =	vadd.f32 v37, v34;
	v38 =	vadd.f32 v39, v38;
	v25 =	vld.idx.msk [tilespmem:v43+s2+$0x0], $0xffff  }
.Ltmp1:
0x84: {  	v33 =	vor.u32 $0xB, v19;
	v39 =	vadd.f32 v28, v26;
	v40 =	vadd.f32 v29, v40;
	v26 =	vmovc v42;
	v27 =	vld.idx.msk [tilespmem:v44+s2+$0x0], $0xffff;
	(pc) =	sbr.rel @p0 .LBB2_5-.Ltmp1, $4  }
0x85: {  	v34 =	vor.u32 $0xC, v19;
	v42 =	vadd.f32 v31, v30;
	v43 =	vadd.f32 v38, v37;
	v28 =	vmovc v36;
	v29 =	vld.idx.msk [tilespmem:v45+s2+$0x0], $0xffff  }
0x86: {  	v37 =	vor.u32 $0xD, v19;
	v30 =	vld.idx.msk [tilespmem:v35+s2+$0x0], $0xffff  }
0x87: {  	v38 =	vor.u32 $0xE, v19;
	v35 =	vadd.f32 v40, v39;
	v36 =	vadd.f32 v43, v42;
	v31 =	vld.idx.msk [tilespmem:v41+s2+$0x0], $0xffff  }
0x88: {  	s22 =	sadd.s32 $0xFFFFFFFF, s22;
	v24 =	vadd.s32 $0x1, v24;
	v39 =	vor.u32 $0xF, v19;
	v32 =	vld.idx.msk [tilespmem:v32+s2+$0x0], $0xffff  }
0x89: {  	_ =	sdelay $0x3  }
0x8a: {  	v19 =	vld.idx.msk [tilespmem:v33+s2+$0x0], $0xffff  }
0x8b: {  	v60 =	vld.idx.msk [tilespmem:v34+s2+$0x0], $0xffff  }
0x8c: {  	v61 =	vld.idx.msk [tilespmem:v37+s2+$0x0], $0xffff  }
0x8d: {  	v62 =	vld.idx.msk [tilespmem:v38+s2+$0x0], $0xffff  }
0x8e: {  	v63 =	vld.idx.msk [tilespmem:v39+s2+$0x0], $0xffff;
	_ =	sdelay $0x1  }
0x8f: {  	v26 =	vadd.f32 v28, v26;
	v20 =	vadd.f32 v22, v20  }
0x90: {  	v22 =	vadd.f32 v25, v23;
	v23 =	vadd.f32 v29, v27  }
0x91: {  	v25 =	vadd.f32 v31, v30;
	v19 =	vadd.f32 v19, v32  }
0x92: {  	v27 =	vadd.f32 v61, v60;
	v28 =	vadd.f32 v63, v62  }
0x93: {  	v20 =	vadd.f32 v20, v26;
	v22 =	vadd.f32 v23, v22  }
0x94: {  	v19 =	vadd.f32 v19, v25;
	v23 =	vadd.f32 v28, v27  }
0x95: {  	v20 =	vadd.f32 v22, v20  }
0x96: {  	(xrf2) =	vadd.scan.msk.f32 $0xffff, v18;
	v25 =	vadd.f32 v36, v35;
	v19 =	vadd.f32 v23, v19;
	_ =	sdelay $0x1  }
0x97: {  	v21 =	vadd.f32 v25, v21;
	v19 =	vadd.f32 v19, v20;
	_ =	sdelay $0x1  }
0x98: {  	v19 =	vadd.f32 v19, v21  }
0x99: {  	v20 =	vadd.s32 $0x1, v24  }
0x9a: {  	(xrf2) =	vadd.scan.msk.f32 $0xffff, v19;
	_ =	sdelay $0x2  }
0x9b: {  	[tilespmem:v24+s13+$0x0] =	vst.idx.msk $0xffff, v21  }
0x9c: {  	v23, _, _ =	vpop (xrf2);
	[tilespmem:v20+s13+$0x0] =	vst.idx.msk $0xffff, v19  }
0x9d: {  	[tilespmem:$0x1A710] =	vst v23  }
0x9e: {  	v20 =	vld.idx.msk [tilespmem:v4+s15+$0x0], $0xffff;
	_ =	sdelay $0x1  }
0x9f: {  	s22 =	simm.s32 $0x0  }
0xa0: {  	v22 =	vadd.s32 s22, v1  }
0xa1: {  	v21, _, _ =	vpop (xrf2)  }
0xa2: {  	v24 =	vadd.f32 v20, v21;
	_ =	sdelay $0x1  }
0xa3: {  	s31 =	simm.s32 $0x1;
	[tilespmem:$0x1A710] =	vst v24  }
0xa4: {  	v24 =	vadd.s32 s31, v1;
	v27 =	vld.idx.msk [tilespmem:v22+s13+$0x0], $0xffff;
	_ =	sdelay $0x2  }
0xa5: {  	v25 =	vsub.f32 v23, v18  }
0xa6: {  	v18 =	vld.idx.msk [tilespmem:v4+s15+$0x0], $0xffff  }
0xa7: {  	s22 =	simm.s32 $0x2;
	v26 =	vld.idx.msk [tilespmem:v24+s13+$0x0], $0xffff;
	v27 =	vadd.f32 v27, v25  }
.LBB2_7:
0xa8: {  	v23 =	vadd.s32 s22, v1;
	p0 =	sne.s32 s22, $0xC2;
	s22 =	sadd.s32 $0x1, s22  }
.Ltmp2:
0xa9: {  	[tilespmem:v22+s13+$0x0] =	vst.idx.msk $0xffff, v27;
	v22 =	vmov v24;
	v24 =	vmov v23;
	(pc) =	sbr.rel @p0 .LBB2_7-.Ltmp2, $2  }
0xaa: {  	_ =	sdelay $0x2  }
0xab: {  	v27 =	vadd.f32 v26, v25;
	v26 =	vld.idx.msk [tilespmem:v23+s13+$0x0], $0xffff  }
0xac: {  	_ = 	snop  }
0xad: {  	s22 =	simm.s32 $0xC30  }
0xae: {  	v23 =	vadd.s32 s22, v1;
	_ =	sdelay $0x1  }
0xaf: {  	v25 =	vadd.f32 v26, v25  }
0xb0: {  	[tilespmem:v22+s13+$0x0] =	vst.idx.msk $0xffff, v27  }
0xb1: {  	s31 =	simm.s32 $0xC31;
	[tilespmem:v24+s13+$0x0] =	vst.idx.msk $0xffff, v25  }
0xb2: {  	v22 =	vadd.s32 s31, v1;
	v24 =	vld.idx.msk [tilespmem:v23+s13+$0x0], $0xffff  }
0xb3: {  	v19 =	vsub.f32 v21, v19;
	_ =	sdelay $0x1  }
0xb4: {  	v19 =	vadd.f32 v20, v19;
	_ =	sdelay $0x1  }
0xb5: {  	s22 =	simm.s32 $0xC32;
	v20 =	vld.idx.msk [tilespmem:v22+s13+$0x0], $0xffff;
	v21 =	vadd.f32 v24, v19  }
.LBB2_9:
0xb6: {  	v24 =	vadd.s32 s22, v1;
	p0 =	sne.s32 s22, $0xCF2;
	s22 =	sadd.s32 $0x1, s22  }
.Ltmp3:
0xb7: {  	[tilespmem:v23+s13+$0x0] =	vst.idx.msk $0xffff, v21;
	v23 =	vmov v22;
	v22 =	vmov v24;
	(pc) =	sbr.rel @p0 .LBB2_9-.Ltmp3, $2  }
0xb8: {  	_ =	sdelay $0x2  }
0xb9: {  	v21 =	vadd.f32 v20, v19;
	v20 =	vld.idx.msk [tilespmem:v24+s13+$0x0], $0xffff  }
0xba: {  	_ =	sdelay $0x3  }
0xbb: {  	v19 =	vadd.f32 v20, v19  }
0xbc: {  	[tilespmem:v23+s13+$0x0] =	vst.idx.msk $0xffff, v21  }
0xbd: {  	[tilespmem:v22+s13+$0x0] =	vst.idx.msk $0xffff, v19  }
0xbe: {  	_ =	swait.ge [sflag:s16], $0xA0  }
0xbf: {  	[sflag:s16] =	ssyncset.done $0x0  }
0xc0: {  	[sflag:s16] =	ssyncadd.s32 $0xFFFFFF60  }
0xc1: {  	v19 =	vld [tilespmem:$0x18600];
	_ =	sdelay $0x4  }
0xc2: {  	(xrf2) =	vadd.scan.msk.f32 $0xffff, v19;
	_ =	sdelay $0x9  }
0xc3: {  	v19, _, _ =	vpop (xrf2)  }
0xc4: {  	v19 =	vbroadcast v19, $0xF;
	_ =	sdelay $0x1  }
0xc5: {  	v18 =	vadd.f32 v19, v18;
	_ =	sdelay $0x1  }
0xc6: {  	[tilespmem:v5+s13+$0x0] =	vst.idx.msk $0x1, v18  }
0xc7: {  	v19 =	vld [tilespmem:$0x18610];
	_ =	sdelay $0x4  }
0xc8: {  	(xrf2) =	vadd.scan.msk.f32 $0xffff, v19;
	_ =	sdelay $0x9  }
0xc9: {  	v19, _, _ =	vpop (xrf2)  }
0xca: {  	v19 =	vbroadcast v19, $0xF;
	_ =	sdelay $0x1  }
0xcb: {  	v18 =	vadd.f32 v19, v18;
	_ =	sdelay $0x1  }
0xcc: {  	[tilespmem:v6+s13+$0x0] =	vst.idx.msk $0x1, v18  }
0xcd: {  	v19 =	vld [tilespmem:$0x18620];
	_ =	sdelay $0x4  }
0xce: {  	(xrf2) =	vadd.scan.msk.f32 $0xffff, v19;
	_ =	sdelay $0x9  }
0xcf: {  	v19, _, _ =	vpop (xrf2)  }
0xd0: {  	v19 =	vbroadcast v19, $0xF;
	_ =	sdelay $0x1  }
0xd1: {  	v18 =	vadd.f32 v19, v18;
	_ =	sdelay $0x1  }
0xd2: {  	[tilespmem:v7+s13+$0x0] =	vst.idx.msk $0x1, v18  }
0xd3: {  	v19 =	vld [tilespmem:$0x18630];
	_ =	sdelay $0x4  }
0xd4: {  	(xrf2) =	vadd.scan.msk.f32 $0xffff, v19;
	_ =	sdelay $0x9  }
0xd5: {  	v19, _, _ =	vpop (xrf2)  }
0xd6: {  	v19 =	vbroadcast v19, $0xF;
	_ =	sdelay $0x1  }
0xd7: {  	v18 =	vadd.f32 v19, v18;
	_ =	sdelay $0x1  }
0xd8: {  	[tilespmem:v8+s13+$0x0] =	vst.idx.msk $0x1, v18  }
0xd9: {  	v19 =	vld [tilespmem:$0x18640];
	_ =	sdelay $0x4  }
0xda: {  	(xrf2) =	vadd.scan.msk.f32 $0xffff, v19;
	_ =	sdelay $0x9  }
0xdb: {  	v19, _, _ =	vpop (xrf2)  }
0xdc: {  	v19 =	vbroadcast v19, $0xF;
	_ =	sdelay $0x1  }
0xdd: {  	v18 =	vadd.f32 v19, v18;
	_ =	sdelay $0x1  }
0xde: {  	[tilespmem:v9+s13+$0x0] =	vst.idx.msk $0x1, v18  }
0xdf: {  	v19 =	vld [tilespmem:$0x18650];
	_ =	sdelay $0x4  }
0xe0: {  	(xrf2) =	vadd.scan.msk.f32 $0xffff, v19;
	_ =	sdelay $0x9  }
0xe1: {  	v19, _, _ =	vpop (xrf2)  }
0xe2: {  	v19 =	vbroadcast v19, $0xF;
	_ =	sdelay $0x1  }
0xe3: {  	v18 =	vadd.f32 v19, v18;
	_ =	sdelay $0x1  }
0xe4: {  	[tilespmem:v10+s13+$0x0] =	vst.idx.msk $0x1, v18  }
0xe5: {  	v19 =	vld [tilespmem:$0x18660];
	_ =	sdelay $0x4  }
0xe6: {  	(xrf2) =	vadd.scan.msk.f32 $0xffff, v19;
	_ =	sdelay $0x9  }
0xe7: {  	v19, _, _ =	vpop (xrf2)  }
0xe8: {  	v19 =	vbroadcast v19, $0xF;
	_ =	sdelay $0x1  }
0xe9: {  	v18 =	vadd.f32 v19, v18;
	_ =	sdelay $0x1  }
0xea: {  	[tilespmem:v11+s13+$0x0] =	vst.idx.msk $0x1, v18  }
0xeb: {  	v19 =	vld [tilespmem:$0x18670];
	_ =	sdelay $0x4  }
0xec: {  	(xrf2) =	vadd.scan.msk.f32 $0xffff, v19;
	_ =	sdelay $0x9  }
0xed: {  	v19, _, _ =	vpop (xrf2)  }
0xee: {  	v19 =	vbroadcast v19, $0xF;
	_ =	sdelay $0x1  }
0xef: {  	v18 =	vadd.f32 v19, v18;
	_ =	sdelay $0x1  }
0xf0: {  	[tilespmem:v12+s13+$0x0] =	vst.idx.msk $0x1, v18  }
0xf1: {  	v19 =	vld [tilespmem:$0x18680];
	_ =	sdelay $0x4  }
0xf2: {  	(xrf2) =	vadd.scan.msk.f32 $0xffff, v19;
	_ =	sdelay $0x9  }
0xf3: {  	v19, _, _ =	vpop (xrf2)  }
0xf4: {  	v19 =	vbroadcast v19, $0xF;
	_ =	sdelay $0x1  }
0xf5: {  	v18 =	vadd.f32 v19, v18;
	_ =	sdelay $0x1  }
0xf6: {  	[tilespmem:v13+s13+$0x0] =	vst.idx.msk $0x1, v18  }
0xf7: {  	v19 =	vld [tilespmem:$0x18690];
	_ =	sdelay $0x4  }
0xf8: {  	(xrf2) =	vadd.scan.msk.f32 $0xffff, v19;
	_ =	sdelay $0x9  }
0xf9: {  	v19, _, _ =	vpop (xrf2)  }
0xfa: {  	v19 =	vbroadcast v19, $0xF;
	_ =	sdelay $0x1  }
0xfb: {  	v18 =	vadd.f32 v19, v18;
	v19 =	vmov s19;
	_ =	sdelay $0x1  }
0xfc: {  	[tilespmem:v14+s13+$0x0] =	vst.idx.msk $0x1, v18  }
0xfd: {  	s22 =	simm.s32 $0x0;
	v20 =	vmov s20;
	v18 =	vld.idx.msk [tilespmem:v14+s13+$0x0], $0xffff  }
.LBB2_11:
0xfe: {  	s23 =	sshra.s32 s22, $0x2  }
0xff: {  	v21 =	vld.idx.msk [tilespmem:v19+s23+$0xFFFFFF80 ss:$0x1], $0xffff;
	_ =	sdelay $0x1  }
0x100: {  	v23 =	vld.idx.msk [tilespmem:v15+s13+$0x0], $0xffff;
	_ =	sdelay $0x2  }
0x101: {  	v22 =	vmul.f32 v21, v18;
	_ =	sdelay $0x1  }
0x102: {  	vm0 =	vle.f32 v23, v22  }
0x103: {  	v21 =	vsel vm0, $0x1000, v16  }
0x104: {  	v24 =	vor.u32 $0x7FF, v21;
	_ =	sdelay $0x4  }
0x105: {  	v24 =	vld.idx.msk [tilespmem:v24+s13+$0x0], $0xffff;
	_ =	sdelay $0x4  }
0x106: {  	v25 =	vor.u32 $0x800, v21;
	vm9 =	vle.f32 v24, v22  }
0x107: {  	v24 =	vsel vm9, v25, v21  }
0x108: {  	v21 =	vor.u32 $0x3FF, v24  }
0x109: {  	v21 =	vmin.u32 v21, $0x186F;
	_ =	sdelay $0x1  }
0x10a: {  	v60 =	vld.idx.msk [tilespmem:v19+s23+$0x0 ss:$0x1], $0xffff;
	_ =	sdelay $0x2  }
0x10b: {  	v26 =	vld.idx.msk [tilespmem:v21+s13+$0x0], $0xffff;
	_ =	sdelay $0x1  }
0x10c: {  	v21 =	vmul.f32 v60, v18;
	_ =	sdelay $0x1  }
0x10d: {  	v61 =	vor.u32 $0x400, v24;
	vm2 =	vle.f32 v23, v21  }
0x10e: {  	vm10 =	vlt.u32 v61, $0x186B;
	v23 =	vsel vm2, $0x1000, v16;
	vm1 =	vle.f32 v26, v22  }
0x10f: {  	v62 =	vor.u32 $0x7FF, v23;
	vm0 =	vmand vm1, vm10  }
0x110: {  	v24 =	vsel vm0, v61, v24  }
0x111: {  	v63 =	vor.u32 $0x1FF, v24  }
0x112: {  	v26 =	vmin.u32 v63, $0x186F;
	_ =	sdelay $0x1  }
0x113: {  	v25 =	vld.idx.msk [tilespmem:v62+s13+$0x0], $0xffff;
	_ =	sdelay $0x2  }
0x114: {  	v26 =	vld.idx.msk [tilespmem:v26+s13+$0x0], $0xffff;
	_ =	sdelay $0x1  }
0x115: {  	v27 =	vor.u32 $0x800, v23;
	vm11 =	vle.f32 v25, v21  }
0x116: {  	v23 =	vsel vm11, v27, v23  }
0x117: {  	v28 =	vor.u32 $0x200, v24;
	v29 =	vor.u32 $0x3FF, v23  }
0x118: {  	vm12 =	vlt.u32 v28, $0x186B;
	vm13 =	vle.f32 v26, v22;
	v26 =	vmin.u32 v29, $0x186F  }
0x119: {  	vm0 =	vmand vm13, vm12  }
0x11a: {  	v24 =	vsel vm0, v28, v24  }
0x11b: {  	v25 =	vmin.u32 v24, $0x1770  }
0x11c: {  	v25 =	vadd.s32 $0xFF, v25  }
0x11d: {  	v26 =	vld.idx.msk [tilespmem:v26+s13+$0x0], $0xffff;
	_ =	sdelay $0x3  }
0x11e: {  	v27 =	vor.u32 $0x400, v23;
	v25 =	vld.idx.msk [tilespmem:v25+s13+$0x0], $0xffff  }
0x11f: {  	vm14 =	vlt.u32 v27, $0x186B;
	vm15 =	vle.f32 v26, v21  }
0x120: {  	vm0 =	vmand vm15, vm14  }
0x121: {  	v23 =	vsel vm0, v27, v23  }
0x122: {  	v30 =	vor.u32 $0x1FF, v23  }
0x123: {  	vm5 =	vle.f32 v25, v22;
	v25 =	vmin.u32 v30, $0x186F;
	_ =	sdelay $0x1  }
0x124: {  	vm4 =	vlt.u32 v24, $0x176B  }
0x125: {  	v31 =	vadd.s32 $0x100, v24;
	vm0 =	vmand vm5, vm4  }
0x126: {  	v24 =	vsel vm0, v31, v24  }
0x127: {  	v26 =	vmin.u32 v24, $0x17F0;
	v25 =	vld.idx.msk [tilespmem:v25+s13+$0x0], $0xffff  }
0x128: {  	v26 =	vadd.s32 $0x7F, v26;
	_ =	sdelay $0x2  }
0x129: {  	v27 =	vor.u32 $0x200, v23  }
0x12a: {  	vm6 =	vlt.u32 v27, $0x186B;
	vm7 =	vle.f32 v25, v21  }
0x12b: {  	v26 =	vld.idx.msk [tilespmem:v26+s13+$0x0], $0xffff;
	vm0 =	vmand vm7, vm6  }
0x12c: {  	v23 =	vsel vm0, v27, v23  }
0x12d: {  	v32 =	vmin.u32 v23, $0x1770  }
0x12e: {  	v25 =	vadd.s32 $0xFF, v32;
	_ =	sdelay $0x1  }
0x12f: {  	vm8 =	vlt.u32 v24, $0x17EB;
	vm9 =	vle.f32 v26, v22  }
0x130: {  	v33 =	vadd.s32 $0x80, v24;
	vm0 =	vmand vm9, vm8  }
0x131: {  	v24 =	vsel vm0, v33, v24  }
0x132: {  	v26 =	vmin.u32 v24, $0x1830;
	v25 =	vld.idx.msk [tilespmem:v25+s13+$0x0], $0xffff  }
0x133: {  	v26 =	vadd.s32 $0x3F, v26;
	_ =	sdelay $0x3  }
0x134: {  	vm10 =	vlt.u32 v23, $0x176B;
	vm11 =	vle.f32 v25, v21  }
0x135: {  	v34 =	vadd.s32 $0x100, v23;
	v26 =	vld.idx.msk [tilespmem:v26+s13+$0x0], $0xffff;
	vm0 =	vmand vm11, vm10  }
0x136: {  	v23 =	vsel vm0, v34, v23  }
0x137: {  	v25 =	vmin.u32 v23, $0x17F0  }
0x138: {  	v25 =	vadd.s32 $0x7F, v25;
	_ =	sdelay $0x1  }
0x139: {  	vm12 =	vlt.u32 v24, $0x182B;
	vm13 =	vle.f32 v26, v22  }
0x13a: {  	v35 =	vadd.s32 $0x40, v24;
	vm0 =	vmand vm13, vm12  }
0x13b: {  	v24 =	vsel vm0, v35, v24  }
0x13c: {  	v26 =	vmin.u32 v24, $0x1850;
	v25 =	vld.idx.msk [tilespmem:v25+s13+$0x0], $0xffff  }
0x13d: {  	v26 =	vadd.s32 $0x1F, v26;
	_ =	sdelay $0x3  }
0x13e: {  	vm14 =	vlt.u32 v23, $0x17EB;
	vm15 =	vle.f32 v25, v21  }
0x13f: {  	v36 =	vadd.s32 $0x80, v23;
	v26 =	vld.idx.msk [tilespmem:v26+s13+$0x0], $0xffff;
	vm0 =	vmand vm15, vm14  }
0x140: {  	v23 =	vsel vm0, v36, v23  }
0x141: {  	v25 =	vmin.u32 v23, $0x1830  }
0x142: {  	v25 =	vadd.s32 $0x3F, v25;
	_ =	sdelay $0x1  }
0x143: {  	vm4 =	vlt.u32 v24, $0x184B;
	vm5 =	vle.f32 v26, v22  }
0x144: {  	v37 =	vadd.s32 $0x20, v24;
	vm0 =	vmand vm5, vm4  }
0x145: {  	v24 =	vsel vm0, v37, v24  }
0x146: {  	v26 =	vmin.u32 v24, $0x1860;
	v25 =	vld.idx.msk [tilespmem:v25+s13+$0x0], $0xffff  }
0x147: {  	v26 =	vadd.s32 $0xF, v26;
	_ =	sdelay $0x3  }
0x148: {  	vm6 =	vlt.u32 v23, $0x182B;
	vm7 =	vle.f32 v25, v21  }
0x149: {  	v38 =	vadd.s32 $0x40, v23;
	v26 =	vld.idx.msk [tilespmem:v26+s13+$0x0], $0xffff;
	vm0 =	vmand vm7, vm6  }
0x14a: {  	v23 =	vsel vm0, v38, v23  }
0x14b: {  	v25 =	vmin.u32 v23, $0x1850  }
0x14c: {  	v25 =	vadd.s32 $0x1F, v25;
	_ =	sdelay $0x1  }
0x14d: {  	vm8 =	vlt.u32 v24, $0x185B;
	vm9 =	vle.f32 v26, v22  }
0x14e: {  	v39 =	vadd.s32 $0x10, v24;
	vm0 =	vmand vm9, vm8  }
0x14f: {  	v24 =	vsel vm0, v39, v24  }
0x150: {  	v26 =	vmin.u32 v24, $0x1868;
	v25 =	vld.idx.msk [tilespmem:v25+s13+$0x0], $0xffff  }
0x151: {  	v26 =	vadd.s32 $0x7, v26;
	_ =	sdelay $0x3  }
0x152: {  	vm10 =	vlt.u32 v23, $0x184B;
	vm11 =	vle.f32 v25, v21  }
0x153: {  	v40 =	vadd.s32 $0x20, v23;
	v26 =	vld.idx.msk [tilespmem:v26+s13+$0x0], $0xffff;
	vm0 =	vmand vm11, vm10  }
0x154: {  	v23 =	vsel vm0, v40, v23  }
0x155: {  	v25 =	vmin.u32 v23, $0x1860  }
0x156: {  	v25 =	vadd.s32 $0xF, v25;
	_ =	sdelay $0x1  }
0x157: {  	vm12 =	vlt.u32 v24, $0x1863;
	vm13 =	vle.f32 v26, v22  }
0x158: {  	v41 =	vadd.s32 $0x8, v24;
	vm0 =	vmand vm13, vm12  }
0x159: {  	v24 =	vsel vm0, v41, v24  }
0x15a: {  	v26 =	vmin.u32 v24, $0x186C;
	v25 =	vld.idx.msk [tilespmem:v25+s13+$0x0], $0xffff  }
0x15b: {  	v26 =	vadd.s32 $0x3, v26;
	_ =	sdelay $0x3  }
0x15c: {  	vm14 =	vlt.u32 v23, $0x185B;
	vm15 =	vle.f32 v25, v21  }
0x15d: {  	v42 =	vadd.s32 $0x10, v23;
	v26 =	vld.idx.msk [tilespmem:v26+s13+$0x0], $0xffff;
	vm0 =	vmand vm15, vm14  }
0x15e: {  	v23 =	vsel vm0, v42, v23  }
0x15f: {  	v25 =	vmin.u32 v23, $0x1868  }
0x160: {  	v25 =	vadd.s32 $0x7, v25;
	_ =	sdelay $0x1  }
0x161: {  	vm4 =	vlt.u32 v24, $0x1867;
	vm5 =	vle.f32 v26, v22  }
0x162: {  	v43 =	vadd.s32 $0x4, v24;
	vm0 =	vmand vm5, vm4  }
0x163: {  	v24 =	vsel vm0, v43, v24  }
0x164: {  	v26 =	vmin.u32 v24, $0x186E;
	v25 =	vld.idx.msk [tilespmem:v25+s13+$0x0], $0xffff  }
0x165: {  	v26 =	vadd.s32 $0x1, v26;
	_ =	sdelay $0x3  }
0x166: {  	vm6 =	vlt.u32 v23, $0x1863;
	vm7 =	vle.f32 v25, v21  }
0x167: {  	v44 =	vadd.s32 $0x8, v23;
	v26 =	vld.idx.msk [tilespmem:v26+s13+$0x0], $0xffff;
	vm0 =	vmand vm7, vm6  }
0x168: {  	v23 =	vsel vm0, v44, v23  }
0x169: {  	v25 =	vmin.u32 v23, $0x186C  }
0x16a: {  	v25 =	vadd.s32 $0x3, v25;
	_ =	sdelay $0x1  }
0x16b: {  	vm8 =	vlt.u32 v24, $0x1869;
	vm9 =	vle.f32 v26, v22  }
0x16c: {  	v45 =	vadd.s32 $0x2, v24;
	vm0 =	vmand vm9, vm8  }
0x16d: {  	v24 =	vsel vm0, v45, v24  }
0x16e: {  	v26 =	vmin.u32 v24, $0x186F;
	v25 =	vld.idx.msk [tilespmem:v25+s13+$0x0], $0xffff;
	_ =	sdelay $0x4  }
0x16f: {  	vm10 =	vlt.u32 v23, $0x1867;
	v26 =	vld.idx.msk [tilespmem:v26+s13+$0x0], $0xffff;
	vm11 =	vle.f32 v25, v21  }
0x170: {  	v46 =	vadd.s32 $0x4, v23;
	vm0 =	vmand vm11, vm10  }
0x171: {  	v23 =	vsel vm0, v46, v23  }
0x172: {  	v25 =	vmin.u32 v23, $0x186E  }
0x173: {  	v25 =	vadd.s32 $0x1, v25  }
0x174: {  	vm12 =	vlt.u32 v24, $0x186A;
	vm13 =	vle.f32 v26, v22  }
0x175: {  	vm0 =	vmand vm13, vm12  }
0x176: {  	v47 =	vsel vm0, $0x1, v16  }
0x177: {  	v24 =	vadd.s32 v47, v24  }
0x178: {  	v26 =	vmin.u32 v24, $0x1869;
	v25 =	vld.idx.msk [tilespmem:v25+s13+$0x0], $0xffff  }
0x179: {  	v48 =	vmax.u32 v24, $0x1;
	v26 =	vshll.u32 v26, $0x4  }
0x17a: {  	v27 =	vsub.s32 v48, v17  }
0x17b: {  	v28 =	vor.u32 $0x1, v26;
	_ =	sdelay $0x1  }
0x17c: {  	vm14 =	vlt.u32 v23, $0x1869;
	v29 =	vor.u32 $0x2, v26;
	vm15 =	vle.f32 v25, v21  }
0x17d: {  	v32 =	vadd.s32 $0x2, v23;
	v30 =	vld.idx.msk [tilespmem:v26+s2+$0x0], $0xffff;
	vm0 =	vmand vm15, vm14  }
0x17e: {  	v31 =	vor.u32 $0x3, v26;
	v27 =	vld.idx.msk [tilespmem:v27+s13+$0x0], $0xffff;
	v23 =	vsel vm0, v32, v23  }
0x17f: {  	v28 =	vld.idx.msk [tilespmem:v28+s2+$0x0], $0xffff;
	v34 =	vmin.u32 v23, $0x186F  }
0x180: {  	v49 =	vor.u32 $0x4, v26  }
0x181: {  	vm4 =	veq.s32 v24, $0x0;
	v24 =	vshll.u32 v24, $0x4;
	v33 =	vor.u32 $0x5, v26;
	v29 =	vld.idx.msk [tilespmem:v29+s2+$0x0], $0xffff  }
0x182: {  	v51 =	vor.u32 $0x6, v26;
	v55 =	vor.u32 $0x7, v26;
	v50 =	vadd.f32 $0.0e+00, v30  }
0x183: {  	v35 =	vor.u32 $0x8, v26;
	v61 =	vor.u32 $0x9, v26;
	v31 =	vld.idx.msk [tilespmem:v31+s2+$0x0], $0xffff;
	v27 =	vsel vm4, $0x0, v27  }
0x184: {  	v63 =	vor.u32 $0xA, v26;
	v22 =	vsub.f32 v22, v27;
	v28 =	vadd.f32 v28, v50;
	v53 =	vld.idx.msk [tilespmem:v34+s13+$0x0], $0xffff  }
0x185: {  	v37 =	vor.u32 $0xB, v26;
	v40 =	vor.u32 $0xC, v26;
	v25 =	vld.idx.msk [tilespmem:v49+s2+$0x0], $0xffff;
	v49 =	vor.u32 $0xD, v26  }
0x186: {  	vm5 =	vle.f32 v30, v22;
	v29 =	vadd.f32 v29, v28;
	vm6 =	vle.f32 v28, v22  }
0x187: {  	vm9 =	vlt.u32 v23, $0x186A;
	v56 =	vsel vm5, $0x1, v16;
	v57 =	vsel vm6, $0x1, v16  }
0x188: {  	v52 =	vld.idx.msk [tilespmem:v33+s2+$0x0], $0xffff;
	v54 =	vadd.f32 v31, v29;
	vm7 =	vle.f32 v29, v22;
	v24 =	vor.u32 v57, v24  }
0x189: {  	v58 =	vsel vm7, $0x1, v16;
	v24 =	vadd.s32 v56, v24;
	vm10 =	vle.f32 v53, v21  }
0x18a: {  	v27 =	vld.idx.msk [tilespmem:v51+s2+$0x0], $0xffff;
	vm8 =	vle.f32 v54, v22;
	v25 =	vadd.f32 v25, v54;
	vm0 =	vmand vm10, vm9  }
0x18b: {  	v24 =	vadd.s32 v58, v24;
	v59 =	vsel vm8, $0x1, v16;
	v36 =	vsel vm0, $0x1, v16  }
0x18c: {  	v53 =	vor.u32 $0xE, v26;
	v26 =	vor.u32 $0xF, v26;
	v23 =	vadd.s32 v36, v23  }
0x18d: {  	v60 =	vld.idx.msk [tilespmem:v55+s2+$0x0], $0xffff;
	v32 =	vadd.f32 v52, v25;
	vm11 =	vle.f32 v25, v22;
	v39 =	vmin.u32 v23, $0x1869  }
0x18e: {  	v35 =	vld.idx.msk [tilespmem:v35+s2+$0x0], $0xffff;
	v24 =	vadd.s32 v59, v24;
	v62 =	vsel vm11, $0x1, v16;
	v30 =	vshll.u32 v39, $0x4  }
0x18f: {  	v45 =	vld.idx.msk [tilespmem:v61+s2+$0x0], $0xffff;
	vm12 =	vle.f32 v32, v22;
	v27 =	vadd.f32 v27, v32;
	v24 =	vadd.s32 v62, v24  }
0x190: {  	v48 =	vld.idx.msk [tilespmem:v37+s2+$0x0], $0xffff;
	v44 =	vsel vm12, $0x1, v16;
	v38 =	vmax.u32 v23, $0x1;
	v47 =	vor.u32 $0x1, v30  }
0x191: {  	v54 =	vld.idx.msk [tilespmem:v40+s2+$0x0], $0xffff;
	vm5 =	veq.s32 v23, $0x0;
	v23 =	vshll.u32 v23, $0x4;
	v38 =	vsub.s32 v38, v17  }
0x192: {  	v32 =	vld.idx.msk [tilespmem:v63+s2+$0x0], $0xffff;
	vm13 =	vle.f32 v27, v22;
	v25 =	vadd.f32 v60, v27;
	v52 =	vor.u32 $0x2, v30  }
0x193: {  	v24 =	vadd.s32 v44, v24;
	v46 =	vsel vm13, $0x1, v16;
	v55 =	vor.u32 $0x3, v30;
	v31 =	vld.idx.msk [tilespmem:v30+s2+$0x0], $0xffff  }
0x194: {  	v60 =	vld.idx.msk [tilespmem:v53+s2+$0x0], $0xffff;
	v58 =	vor.u32 $0x4, v30;
	vm14 =	vle.f32 v25, v22;
	v25 =	vadd.f32 v35, v25  }
0x195: {  	v62 =	vor.u32 $0x5, v30;
	v44 =	vor.u32 $0x6, v30;
	v24 =	vadd.s32 v46, v24;
	v33 =	vld.idx.msk [tilespmem:v47+s2+$0x0], $0xffff  }
0x196: {  	v50 =	vsel vm14, $0x1, v16;
	v27 =	vadd.f32 v45, v25;
	vm15 =	vle.f32 v25, v22;
	v51 =	vld.idx.msk [tilespmem:v38+s13+$0x0], $0xffff  }
0x197: {  	v53 =	vor.u32 $0x9, v30;
	v24 =	vadd.s32 v50, v24;
	v56 =	vsel vm15, $0x1, v16;
	v59 =	vld.idx.msk [tilespmem:v52+s2+$0x0], $0xffff  }
0x198: {  	v32 =	vadd.f32 v32, v27;
	vm4 =	vle.f32 v27, v22;
	v61 =	vadd.f32 $0.0e+00, v31  }
0x199: {  	v36 =	vld.idx.msk [tilespmem:v55+s2+$0x0], $0xffff;
	v24 =	vadd.s32 v56, v24;
	v47 =	vor.u32 $0x7, v30;
	v63 =	vsel vm4, $0x1, v16  }
0x19a: {  	v57 =	vld.idx.msk [tilespmem:v49+s2+$0x0], $0xffff;
	v34 =	vadd.f32 v48, v32;
	vm6 =	vle.f32 v32, v22;
	v33 =	vadd.f32 v33, v61  }
0x19b: {  	v46 =	vld.idx.msk [tilespmem:v58+s2+$0x0], $0xffff;
	v24 =	vadd.s32 v63, v24;
	v63 =	vor.u32 $0xC, v30;
	v45 =	vsel vm6, $0x1, v16  }
0x19c: {  	v26 =	vld.idx.msk [tilespmem:v26+s2+$0x0], $0xffff;
	v29 =	vsel vm5, $0x0, v51;
	v25 =	vadd.f32 v54, v34;
	v28 =	vadd.f32 v59, v33  }
0x19d: {  	v49 =	vld.idx.msk [tilespmem:v62+s2+$0x0], $0xffff;
	vm7 =	vle.f32 v34, v22;
	v51 =	vor.u32 $0x8, v30;
	v24 =	vadd.s32 v45, v24  }
0x19e: {  	v34 =	vld.idx.msk [tilespmem:v44+s2+$0x0], $0xffff;
	v48 =	vsel vm7, $0x1, v16;
	v21 =	vsub.f32 v21, v29;
	v50 =	vadd.f32 v36, v28  }
0x19f: {  	v55 =	vld.idx.msk [tilespmem:v47+s2+$0x0], $0xffff;
	v47 =	vor.u32 $0xD, v30;
	v27 =	vadd.f32 v57, v25;
	vm8 =	vle.f32 v25, v22  }
0x1a0: {  	v57 =	vor.u32 $0xA, v30;
	v52 =	vsel vm8, $0x1, v16;
	v25 =	vadd.f32 v46, v50  }
0x1a1: {  	vm12 =	vle.f32 v31, v21;
	v37 =	vadd.f32 v60, v27;
	vm9 =	vle.f32 v27, v22  }
0x1a2: {  	v60 =	vor.u32 $0xB, v30;
	vm13 =	vle.f32 v33, v21;
	v56 =	vadd.f32 v49, v25  }
0x1a3: {  	v61 =	vsel vm12, $0x1, v16;
	v54 =	vsel vm9, $0x1, v16;
	v44 =	vsel vm13, $0x1, v16;
	v36 =	vld.idx.msk [tilespmem:v51+s2+$0x0], $0xffff  }
0x1a4: {  	v26 =	vadd.f32 v26, v37;
	vm10 =	vle.f32 v37, v22;
	v59 =	vadd.f32 v34, v56  }
0x1a5: {  	v62 =	vld.idx.msk [tilespmem:v53+s2+$0x0], $0xffff;
	vm14 =	vle.f32 v28, v21;
	v23 =	vor.u32 v44, v23;
	v58 =	vsel vm10, $0x1, v16  }
0x1a6: {  	vm11 =	vle.f32 v26, v22;
	v22 =	vadd.s32 v48, v24;
	v24 =	vadd.f32 v55, v59  }
0x1a7: {  	v45 =	vsel vm14, $0x1, v16;
	v27 =	vld.idx.msk [tilespmem:v57+s2+$0x0], $0xffff;
	v23 =	vadd.s32 v61, v23;
	vm15 =	vle.f32 v50, v21  }
0x1a8: {  	v50 =	vor.u32 $0xE, v30;
	v23 =	vadd.s32 v45, v23;
	v46 =	vadd.f32 v36, v24  }
0x1a9: {  	v35 =	vsel vm11, $0x1, v16;
	v22 =	vadd.s32 v52, v22;
	v48 =	vsel vm15, $0x1, v16;
	v34 =	vld.idx.msk [tilespmem:v60+s2+$0x0], $0xffff  }
0x1aa: {  	v52 =	vor.u32 $0xF, v30;
	vm4 =	vle.f32 v25, v21;
	v33 =	vadd.f32 v62, v46  }
0x1ab: {  	v51 =	vld.idx.msk [tilespmem:v63+s2+$0x0], $0xffff;
	v23 =	vadd.s32 v48, v23;
	v49 =	vsel vm4, $0x1, v16;
	vm5 =	vle.f32 v56, v21  }
0x1ac: {  	v23 =	vadd.s32 v49, v23;
	v53 =	vsel vm5, $0x1, v16;
	v27 =	vadd.f32 v27, v33  }
0x1ad: {  	v32 =	vld.idx.msk [tilespmem:v47+s2+$0x0], $0xffff;
	v22 =	vadd.s32 v54, v22;
	vm6 =	vle.f32 v59, v21;
	v23 =	vadd.s32 v53, v23  }
0x1ae: {  	v31 =	vsel vm6, $0x1, v16;
	vm7 =	vle.f32 v24, v21;
	v54 =	vadd.f32 v34, v27  }
0x1af: {  	v56 =	vld.idx.msk [tilespmem:v50+s2+$0x0], $0xffff;
	v23 =	vadd.s32 v31, v23;
	v55 =	vsel vm7, $0x1, v16;
	vm8 =	vle.f32 v46, v21  }
0x1b0: {  	v23 =	vadd.s32 v55, v23;
	v57 =	vsel vm8, $0x1, v16;
	v26 =	vadd.f32 v51, v54  }
0x1b1: {  	v22 =	vadd.s32 v58, v22;
	v28 =	vld.idx.msk [tilespmem:v52+s2+$0x0], $0xffff;
	vm9 =	vle.f32 v33, v21;
	v23 =	vadd.s32 v57, v23  }
0x1b2: {  	v33 =	vsel vm9, $0x1, v16;
	vm10 =	vle.f32 v27, v21;
	v58 =	vadd.f32 v32, v26  }
0x1b3: {  	v23 =	vadd.s32 v33, v23;
	v59 =	vsel vm10, $0x1, v16;
	vm11 =	vle.f32 v54, v21  }
0x1b4: {  	v23 =	vadd.s32 v59, v23;
	v61 =	vsel vm11, $0x1, v16;
	v60 =	vadd.f32 v56, v58  }
0x1b5: {  	vm12 =	vle.f32 v26, v21;
	v23 =	vadd.s32 v61, v23  }
0x1b6: {  	v26 =	vsel vm12, $0x1, v16;
	vm13 =	vle.f32 v58, v21;
	v62 =	vadd.f32 v28, v60  }
0x1b7: {  	p0 =	sne.s32 s22, $0x1C0;
	v23 =	vadd.s32 v26, v23;
	v63 =	vsel vm13, $0x1, v16;
	vm14 =	vle.f32 v60, v21  }
.Ltmp4:
0x1b8: {  	v24 =	vsel vm14, $0x1, v16;
	vm15 =	vle.f32 v62, v21;
	v21 =	vadd.s32 v63, v23;
	(pc) =	sbr.rel @p0 .LBB2_11-.Ltmp4, $4  }
0x1b9: {  	v22 =	vadd.s32 v35, v22;
	v23 =	vsel vm15, $0x1, v16;
	v21 =	vadd.s32 v24, v21  }
0x1ba: {  	v22 =	vmin.u32 v22, $0x1869F;
	v21 =	vadd.s32 v23, v21  }
0x1bb: {  	[tilespmem:v20+s23+$0xFFFFFF80 ss:$0x1] =	vst.idx.msk $0xffff, v22;
	v21 =	vmin.u32 v21, $0x1869F  }
0x1bc: {  	s22 =	sadd.s32 $0x40, s22;
	[tilespmem:v20+s23+$0x0 ss:$0x1] =	vst.idx.msk $0xffff, v21  }
0x1bd: {  	s21 =	sadd.s32 $0x1, s21  }
0x1be: {  	p0 =	sne.s32 s21, $0x4  }
.Ltmp5:
0x1bf: {  	_ = 	snop;
	(pc) =	sbr.rel @p0 .LBB2_2-.Ltmp5, $2  }
0x1c0: {  	_ =	sdelay $0x2  }
0x1c1: {  	s19 =	sadd.s32 $0x100, s19;
	s20 =	sadd.s32 $0x100, s20  }
0x1c2: {  	s18 =	sadd.s32 $0x1, s18  }
0x1c3: {  	p0 =	sne.s32 s18, s7  }
.Ltmp6:
0x1c4: {  	_ = 	snop;
	(pc) =	sbr.rel @p0 .LBB2_1-.Ltmp6, $4  }
0x1c5: {  	[hbm4b:s6+s2] =	stream.linear.scatter [tilespmem:s17], [sflag:$0x4], $0x400, $0x38;
	[tilespmem:$0x1A720] =	vst v63  }
0x1c6: {  	_ =	swait.ge [sflag:s9], $0x400  }
0x1c7: {  	[sflag:s9] =	ssyncset.done $0x0  }
0x1c8: {  	[sflag:s9] =	ssyncadd.s32 $0xFFFFFC00  }
0x1c9: {  	_ =	sfence.sel $0x180000  }
0x1ca: {  	[bflag:$0x0] =	sbarrier.arrive $0xFFFF  }
0x1cb: {  	p0 =	sne.s32 s1, $0x0;
	_ =	strace $0x90000047  }
0x1cc: {  	s0 =	sadd.s32 @!p0 $0x100000, s0;
	[bflag:$0x2] =	sbarrier.arrive $0xFFFF  }
0x1cd: {  	[sflag:s0] =	ssyncadd.tile.s32 @!p0 $0x1;
	_ =	shalt  }
.Lfunc_end2:
_tile_overlayer_lowered:
.L_overlay_start_2:
0x1ce: {  	(tag) =	ssettag $0x2  }
0x1cf: {  	s0 =	rddreg [dreg:$0x0];
	s2 =	stileid.u32  }
0x1d0: {  	s1 =	rddreg [dreg:$0x1];
	p0 =	sne.s32 s2, $0x0  }
0x1d1: {  	s3 =	rddreg [dreg:$0x2];
	[bflag:$0x3] =	sbarrier.arrive $0xFFFF;
	s2 =	simm.s32 @!p0 $0x1C04  }
0x1d2: {  	[timem:s3], [sflag:s2] =	dma.local @!p0 [hbm:s0], s1  }
0x1d3: {  	s0 =	simm.s32 @!p0 $0x4  }
0x1d4: {  	_ =	swait.ge @!p0 [sflag:s0], s1  }
0x1d5: {  	s1 =	ssub.s32 @!p0 $0x0, s1;
	[sflag:s0] =	ssyncset.done @!p0 $0x0  }
0x1d6: {  	[sflag:s0] =	ssyncadd.s32 @!p0 s1  }
0x1d7: {  	[bflag:$0x3] =	sbarrier.arrive $0xFFFF  }
0x1d8: {  	_ =	shalt  }

</sc_bundles>
